<compile_context>
chip_gen: v7x
topology: tpu7x:2x2x1
jax: 0.10.2.dev20260603
libtpu: 0.0.44.dev20260713+nightly
codegen_flags: <defaults>
</compile_context>

<pallas_src>
import functools

import jax
import jax.numpy as jnp
from jax import lax
from jax.experimental import pallas as pl
from jax.experimental.pallas import tpu as pltpu
from jax.experimental.pallas import tpu_sc as plsc

NC = 2
NS = 16
NW = NC * NS
LANES = 16
K = 128


def _sc_mesh():
  return plsc.VectorSubcoreMesh(
      core_axis_name="c", subcore_axis_name="s",
      num_cores=NC, num_subcores=NS)


def _deg_hist(dst_pad, zeros_d, ones_d, a_rows, rpt, cpw, epw, d):

  @functools.partial(
      pl.kernel,
      out_type=jax.ShapeDtypeStruct((NC, a_rows, d), jnp.float32),
      mesh=_sc_mesh(),
      scratch_types=[
          pltpu.VMEM((K,), jnp.int32),
          pltpu.VMEM((K, d), jnp.float32),
          pltpu.VMEM_SHARED((a_rows, d), jnp.float32),
      ])
  def body(dst_hbm, z_hbm, ones_hbm, out_hbm, didx, ones_v, acc):
    c = lax.axis_index("c")
    s = lax.axis_index("s")
    wid = c * NS + s
    pltpu.sync_copy(z_hbm.at[pl.ds(s * rpt, rpt)], acc.at[pl.ds(s * rpt, rpt)])
    pltpu.sync_copy(ones_hbm, ones_v)
    plsc.subcore_barrier()
    base = wid * epw

    def step(j, carry):
      off = base + j * K
      pltpu.sync_copy(dst_hbm.at[pl.ds(off, K)], didx)
      pltpu.sync_copy(ones_v, acc.at[didx], add=True)
      return carry

    lax.fori_loop(0, cpw, step, 0)
    plsc.subcore_barrier()
    pltpu.sync_copy(acc.at[pl.ds(s * rpt, rpt)],
                    out_hbm.at[c, pl.ds(s * rpt, rpt)])

  return body(dst_pad, zeros_d, ones_d)


def _sc_scatter(g, sd2, zeros_d, a_rows, rpt, cpw0, cpw1):
  d = g.shape[1]

  @functools.partial(
      pl.kernel,
      out_type=jax.ShapeDtypeStruct((NC, a_rows, d), jnp.float32),
      mesh=_sc_mesh(),
      scratch_types=[
          pltpu.VMEM((2, K), jnp.int32),
          pltpu.VMEM((2, K), jnp.int32),
          pltpu.VMEM((K, d), jnp.float32),
          pltpu.VMEM((K, d), jnp.float32),
          pltpu.VMEM_SHARED((a_rows, d), jnp.float32),
          pltpu.SemaphoreType.DMA,
          pltpu.SemaphoreType.DMA,
          pltpu.SemaphoreType.DMA,
          pltpu.SemaphoreType.DMA,
      ])
  def body(g_hbm, sd_hbm, z_hbm, out_hbm, sdidx0, sdidx1, rows0, rows1,
           acc, gsem0, gsem1, ssem0, ssem1):
    c = lax.axis_index("c")
    s = lax.axis_index("s")
    pltpu.sync_copy(z_hbm.at[pl.ds(s * rpt, rpt)], acc.at[pl.ds(s * rpt, rpt)])
    plsc.subcore_barrier()
    cbase = jnp.where(c == 0, s * cpw0, NS * cpw0 + s * cpw1)
    my_cpw = jnp.where(c == 0, cpw0, cpw1)

    nt = my_cpw // 2

    pltpu.sync_copy(sd_hbm.at[cbase], sdidx0)
    pltpu.async_copy(g_hbm.at[sdidx0.at[0]], rows0, gsem0)

    def step(t, carry):
      cb = cbase + 2 * t
      pltpu.make_async_copy(g_hbm.at[sdidx0.at[0]], rows0, gsem0).wait()
      s0 = pltpu.async_copy(rows0, acc.at[sdidx0.at[1]], ssem0, add=True)

      @pl.when(t > 0)
      def _():
        pltpu.make_async_copy(rows1, acc.at[sdidx1.at[1]], ssem1).wait()

      pltpu.sync_copy(sd_hbm.at[cb + 1], sdidx1)
      g1 = pltpu.async_copy(g_hbm.at[sdidx1.at[0]], rows1, gsem1)
      g1.wait()
      s1 = pltpu.async_copy(rows1, acc.at[sdidx1.at[1]], ssem1, add=True)
      s0.wait()

      @pl.when(t + 1 < nt)
      def _():
        pltpu.sync_copy(sd_hbm.at[cb + 2], sdidx0)
        pltpu.async_copy(g_hbm.at[sdidx0.at[0]], rows0, gsem0)

      return carry

    lax.fori_loop(0, nt, step, 0)
    pltpu.make_async_copy(rows1, acc.at[sdidx1.at[1]], ssem1).wait()
    plsc.subcore_barrier()
    pltpu.sync_copy(acc.at[pl.ds(s * rpt, rpt)],
                    out_hbm.at[c, pl.ds(s * rpt, rpt)])

  return body(g, sd2, zeros_d)


def _tc_first(degp, x, w1, r):
  n, d_in = x.shape
  d_hid = w1.shape[1]
  grid = (n // r,)

  def body(dp_ref, x_ref, w_ref, dinv_ref, g_ref):
    dp = dp_ref[...]
    deg = dp[0, :, 0:1] + dp[1, :, 0:1] + 1.0
    dinv = lax.rsqrt(deg)
    dinv_ref[...] = dinv
    g_ref[...] = dinv * jnp.dot(x_ref[...], w_ref[...],
                                preferred_element_type=jnp.float32)

  return pl.pallas_call(
      body,
      grid=grid,
      in_specs=[
          pl.BlockSpec((NC, r, d_hid), lambda i: (0, i, 0)),
          pl.BlockSpec((r, d_in), lambda i: (i, 0)),
          pl.BlockSpec((d_in, d_hid), lambda i: (0, 0)),
      ],
      out_specs=[
          pl.BlockSpec((r, 1), lambda i: (i, 0)),
          pl.BlockSpec((r, d_hid), lambda i: (i, 0)),
      ],
      out_shape=[
          jax.ShapeDtypeStruct((n, 1), jnp.float32),
          jax.ShapeDtypeStruct((n, d_hid), jnp.float32),
      ])(degp, x, w1)


def _tc_mid(part, g1, dinv, b1, w2, r):
  n, d = g1.shape
  a_rows = part.shape[1]
  grid = (n // r,)

  def body(p_ref, g_ref, dinv_ref, b_ref, w_ref, out_ref):
    p = p_ref[...]
    s = p[0] + p[1] + g_ref[...]
    h = dinv_ref[...] * s + b_ref[...]
    h = jnp.maximum(h, 0.0)
    out_ref[...] = dinv_ref[...] * jnp.dot(h, w_ref[...],
                                           preferred_element_type=jnp.float32)

  return pl.pallas_call(
      body,
      grid=grid,
      in_specs=[
          pl.BlockSpec((NC, r, d), lambda i: (0, i, 0)),
          pl.BlockSpec((r, d), lambda i: (i, 0)),
          pl.BlockSpec((r, 1), lambda i: (i, 0)),
          pl.BlockSpec((1, d), lambda i: (0, 0)),
          pl.BlockSpec((d, d), lambda i: (0, 0)),
      ],
      out_specs=pl.BlockSpec((r, d), lambda i: (i, 0)),
      out_shape=jax.ShapeDtypeStruct((n, d), jnp.float32))(
          part, g1, dinv, b1, w2)


def _tc_last(part, g2, dinv, b2, r):
  n, d = g2.shape
  grid = (n // r,)

  def body(p_ref, g_ref, dinv_ref, b_ref, out_ref):
    p = p_ref[...]
    s = p[0] + p[1] + g_ref[...]
    out_ref[...] = dinv_ref[...] * s + b_ref[...]

  return pl.pallas_call(
      body,
      grid=grid,
      in_specs=[
          pl.BlockSpec((NC, r, d), lambda i: (0, i, 0)),
          pl.BlockSpec((r, d), lambda i: (i, 0)),
          pl.BlockSpec((r, 1), lambda i: (i, 0)),
          pl.BlockSpec((1, d), lambda i: (0, 0)),
      ],
      out_specs=pl.BlockSpec((r, d), lambda i: (i, 0)),
      out_shape=jax.ShapeDtypeStruct((n, d), jnp.float32))(
          part, g2, dinv, b2)


def kernel(x, edge_index, W1, b1, W2, b2):
  n, d_in = x.shape
  d_hid = W1.shape[1]
  e = edge_index.shape[1]

  cpw_deg = -(-e // (NW * K))
  tch = cpw_deg * NW
  e_pad = tch * K
  pad = e_pad - e

  cps = cpw_deg * NC
  cpw0 = 2 * ((2 * cps // 3 + 1) // 2)
  cpw1 = cps - cpw0
  assert cpw0 % 2 == 0 and cpw1 % 2 == 0

  rpt = 632
  a_rows = rpt * NS

  src_pad = jnp.concatenate(
      [edge_index[0], jnp.zeros((pad,), jnp.int32)])
  dst_pad = jnp.concatenate(
      [edge_index[1], jnp.full((pad,), n, jnp.int32)])
  sd2 = jnp.stack([src_pad.reshape(-1, K), dst_pad.reshape(-1, K)], axis=1)
  ones_d = jnp.ones((K, d_hid), jnp.float32)
  zeros_d = jnp.zeros((a_rows, d_hid), jnp.float32)

  r = 1000

  degp = _deg_hist(dst_pad, zeros_d, ones_d, a_rows, rpt, cpw_deg,
                   cpw_deg * K, d_hid)
  dinv, g1 = _tc_first(degp, x, W1, r)
  part1 = _sc_scatter(g1, sd2, zeros_d, a_rows, rpt, cpw0, cpw1)
  g2 = _tc_mid(part1, g1, dinv, b1.reshape(1, -1), W2, r)
  part2 = _sc_scatter(g2, sd2, zeros_d, a_rows, rpt, cpw0, cpw1)
  out = _tc_last(part2, g2, dinv, b2.reshape(1, -1), r)
  return out

# --- scband reference (transcript-rebuilt; emitter-appended) ---
"""Pipeline reference for scband-gcnmodel-70351564308950 (READ-ONLY COPY).

The authoritative reference and input builder live on the scoring server;
editing this copy changes nothing except your own understanding.
"""

import jax, jax.numpy as jnp
import numpy as np

N = 10000
E = 320000
D_IN = 128
D_HID = 128


def setup_inputs(seed: int = 0) -> dict:
    key = jax.random.key(seed)
    k1, k2, k3, k4 = jax.random.split(key, 4)
    x = jax.random.normal(k1, (N, D_IN), dtype=jnp.float32)
    edge_index = jax.random.randint(k2, (2, E), 0, N, dtype=jnp.int32)
    # GCNConv parameters (glorot-like init, zero bias as in PyG)
    W1 = jax.random.normal(k3, (D_IN, D_HID), dtype=jnp.float32) * (1.0 / np.sqrt(D_IN))
    b1 = jnp.zeros((D_HID,), dtype=jnp.float32)
    W2 = jax.random.normal(k4, (D_HID, D_HID), dtype=jnp.float32) * (1.0 / np.sqrt(D_HID))
    b2 = jnp.zeros((D_HID,), dtype=jnp.float32)
    return {"x": x, "edge_index": edge_index, "W1": W1, "b1": b1, "W2": W2, "b2": b2}


def reference(x, edge_index, W1, b1, W2, b2):
    num_nodes = x.shape[0]
    # GCNConv: add self loops, symmetric normalization deg^{-1/2} A_hat deg^{-1/2}
    loop = jnp.arange(num_nodes, dtype=edge_index.dtype)
    src = jnp.concatenate([edge_index[0], loop])
    dst = jnp.concatenate([edge_index[1], loop])
    ones = jnp.ones(src.shape[0], dtype=x.dtype)
    deg = jax.ops.segment_sum(ones, dst, num_segments=num_nodes)
    dinv = jnp.where(deg > 0, jax.lax.rsqrt(deg), 0.0)
    norm = dinv[src] * dinv[dst]

    def gcn_conv(h, W, b):
        h = h @ W                      # dense transform
        msg = jnp.take(h, src, axis=0) * norm[:, None]   # gather + scale
        out = jax.ops.segment_sum(msg, dst, num_segments=num_nodes)  # scatter-add
        return out + b

    gout_1 = gcn_conv(x, W1, b1)
    gout_2 = jax.nn.relu(gout_1)       # F.dropout treated as identity (eval mode)
    gout_2 = gcn_conv(gout_2, W2, b2)
    return gout_2

if __name__ == "__main__":
    import jax
    _d = setup_inputs()
    print(jax.jit(kernel)(*tuple(_d.values())))

</pallas_src>

<mosaic_0001>
#map = affine_map<(d0, d1) -> (0)>
#map1 = affine_map<(d0, d1) -> (0, 0)>
#map2 = affine_map<(d0, d1) -> (0, 0, 0)>
module attributes {stable_mosaic.version = 14 : i64} {
  func.func @body(%arg0: i32, %arg1: i32, %arg2: memref<323584xi32, #tpu.memory_space<hbm>>, %arg3: memref<10112x128xf32, #tpu.memory_space<hbm>>, %arg4: memref<128x128xf32, #tpu.memory_space<hbm>>, %arg5: memref<2x10112x128xf32, #tpu.memory_space<hbm>>, %arg6: memref<128xi32, #tpu.memory_space<vmem>>, %arg7: memref<128x128xf32, #tpu.memory_space<vmem>>, %arg8: memref<10112x128xf32, #tpu.memory_space<vmem_shared>>) attributes {dimension_semantics = [#tpu.dimension_semantics<core_parallel>, #tpu.dimension_semantics<subcore_parallel>], iteration_bounds = array<i64: 2, 16>, scalar_prefetch = 0 : i64, scratch_operands = 3 : i64, tpu.core_type = #tpu.core_type<sc_vector_subcore>, window_params = [{transform_indices = #map}, {transform_indices = #map1}, {transform_indices = #map1}, {transform_indices = #map2}]} {
    %mul3A = arith.constant 16 : i32
    %mul3A_0 = arith.muli %arg0, %mul3A : i32
    %add3A = arith.addi %mul3A_0, %arg1 : i32
    %mul3A_1 = arith.constant 632 : i32
    %mul3A_2 = arith.muli %arg1, %mul3A_1 : i32
    %mul3A_3 = arith.constant 632 : i32
    %mul3A_4 = arith.muli %arg1, %mul3A_3 : i32
    "tpu.region"() ({
      %run_scoped3A = tpu.sem_alloc : memref<!tpu.dma_semaphore, #tpu.memory_space<semaphore_mem>>
      %dma_start3A = arith.constant 0 : i32
      %dma_start3A_17 = tpu.memref_slice %arg8[%mul3A_4, %dma_start3A] : memref<10112x128xf32, #tpu.memory_space<vmem_shared>> -> memref<632x128xf32, #tpu.memory_space<vmem_shared>>
      %dma_start3A_18 = arith.constant 0 : i32
      %dma_start3A_19 = tpu.memref_slice %arg3[%mul3A_2, %dma_start3A_18] : memref<10112x128xf32, #tpu.memory_space<hbm>> -> memref<632x128xf32, #tpu.memory_space<hbm>>
      tpu.enqueue_dma source(%dma_start3A_19 : memref<632x128xf32, #tpu.memory_space<hbm>>) target(%dma_start3A_17 : memref<632x128xf32, #tpu.memory_space<vmem_shared>>) target_semaphore(%run_scoped3A : memref<!tpu.dma_semaphore, #tpu.memory_space<semaphore_mem>>)
      %dma_wait3A = arith.constant 0 : i32
      %dma_wait3A_20 = tpu.memref_slice %arg8[%mul3A_4, %dma_wait3A] : memref<10112x128xf32, #tpu.memory_space<vmem_shared>> -> memref<632x128xf32, #tpu.memory_space<vmem_shared>>
      %dma_wait3A_21 = arith.constant 0 : i32
      %dma_wait3A_22 = tpu.memref_slice %arg3[%mul3A_2, %dma_wait3A_21] : memref<10112x128xf32, #tpu.memory_space<hbm>> -> memref<632x128xf32, #tpu.memory_space<hbm>>
      tpu.wait_dma2 semaphore(%run_scoped3A : memref<!tpu.dma_semaphore, #tpu.memory_space<semaphore_mem>>) src(%dma_wait3A_22 : memref<632x128xf32, #tpu.memory_space<hbm>>) dst(%dma_wait3A_20 : memref<632x128xf32, #tpu.memory_space<vmem_shared>>)
      tpu.yield
    }) : () -> ()
    "tpu.region"() ({
      %run_scoped3A = tpu.sem_alloc : memref<!tpu.dma_semaphore, #tpu.memory_space<semaphore_mem>>
      tpu.enqueue_dma source(%arg4 : memref<128x128xf32, #tpu.memory_space<hbm>>) target(%arg7 : memref<128x128xf32, #tpu.memory_space<vmem>>) target_semaphore(%run_scoped3A : memref<!tpu.dma_semaphore, #tpu.memory_space<semaphore_mem>>)
      tpu.wait_dma2 semaphore(%run_scoped3A : memref<!tpu.dma_semaphore, #tpu.memory_space<semaphore_mem>>) src(%arg4 : memref<128x128xf32, #tpu.memory_space<hbm>>) dst(%arg7 : memref<128x128xf32, #tpu.memory_space<vmem>>)
      tpu.yield
    }) : () -> ()
    %barrier3A = arith.constant 0 : index
    tpu.barrier barrier_id(%barrier3A)
    %mul3A_5 = arith.constant 10112 : i32
    %mul3A_6 = arith.muli %add3A, %mul3A_5 : i32
    %scan3A = arith.constant 0 : i32
    %scan3A_7 = arith.constant 0 : i32
    %scan3A_8 = arith.constant 79 : i32
    %scan3A_9 = arith.addi %scan3A_7, %scan3A_8 : i32
    %scan3A_10 = arith.constant 1 : i32
    scf.for %scan3A_17 = %scan3A_7 to %scan3A_9 step %scan3A_10  : i32 {
      %mul3A_18 = arith.constant 128 : i32
      %mul3A_19 = arith.muli %scan3A_17, %mul3A_18 : i32
      %add3A_20 = arith.addi %mul3A_6, %mul3A_19 : i32
      "tpu.region"() ({
        %run_scoped3A = tpu.sem_alloc : memref<!tpu.dma_semaphore, #tpu.memory_space<semaphore_mem>>
        %dma_start3A = tpu.memref_slice %arg2[%add3A_20] : memref<323584xi32, #tpu.memory_space<hbm>> -> memref<128xi32, #tpu.memory_space<hbm>>
        %dma_start3A_21 = tpu.memref_slice %arg2[%add3A_20] : memref<323584xi32, #tpu.memory_space<hbm>> -> memref<128xi32, #tpu.memory_space<hbm>>
        tpu.enqueue_dma source(%dma_start3A_21 : memref<128xi32, #tpu.memory_space<hbm>>) target(%arg6 : memref<128xi32, #tpu.memory_space<vmem>>) target_semaphore(%run_scoped3A : memref<!tpu.dma_semaphore, #tpu.memory_space<semaphore_mem>>)
        %dma_wait3A = tpu.memref_slice %arg2[%add3A_20] : memref<323584xi32, #tpu.memory_space<hbm>> -> memref<128xi32, #tpu.memory_space<hbm>>
        %dma_wait3A_22 = tpu.memref_slice %arg2[%add3A_20] : memref<323584xi32, #tpu.memory_space<hbm>> -> memref<128xi32, #tpu.memory_space<hbm>>
        tpu.wait_dma2 semaphore(%run_scoped3A : memref<!tpu.dma_semaphore, #tpu.memory_space<semaphore_mem>>) src(%dma_wait3A_22 : memref<128xi32, #tpu.memory_space<hbm>>) dst(%arg6 : memref<128xi32, #tpu.memory_space<vmem>>)
        tpu.yield
      }) : () -> ()
      "tpu.region"() ({
        %run_scoped3A = tpu.sem_alloc : memref<!tpu.dma_semaphore, #tpu.memory_space<semaphore_mem>>
        %dma_start3A = arith.constant 0 : i32
        %dma_start3A_21 = arith.constant 0 : i32
        %dma_start3A_22 = tpu.memref_slice %arg8[%dma_start3A, %dma_start3A_21] : memref<10112x128xf32, #tpu.memory_space<vmem_shared>> -> memref<10112x128xf32, #tpu.memory_space<vmem_shared>>
        tpu.enqueue_indirect_dma source(%arg7 : memref<128x128xf32, #tpu.memory_space<vmem>>) target(%dma_start3A_22 : memref<10112x128xf32, #tpu.memory_space<vmem_shared>>) offsets(%arg6 : memref<128xi32, #tpu.memory_space<vmem>>) semaphore(%run_scoped3A : memref<!tpu.dma_semaphore, #tpu.memory_space<semaphore_mem>>) {add = true}
        %dma_wait3A = arith.constant 0 : i32
        %dma_wait3A_23 = arith.constant 0 : i32
        %dma_wait3A_24 = tpu.memref_slice %arg8[%dma_wait3A, %dma_wait3A_23] : memref<10112x128xf32, #tpu.memory_space<vmem_shared>> -> memref<10112x128xf32, #tpu.memory_space<vmem_shared>>
        tpu.wait_indirect_dma semaphore(%run_scoped3A : memref<!tpu.dma_semaphore, #tpu.memory_space<semaphore_mem>>) src(%arg7 : memref<128x128xf32, #tpu.memory_space<vmem>>) dst(%dma_wait3A_24 : memref<10112x128xf32, #tpu.memory_space<vmem_shared>>)
        tpu.yield
      }) : () -> ()
    }
    %scan3A_11 = arith.constant 79 : i32
    %barrier3A_12 = arith.constant 0 : index
    tpu.barrier barrier_id(%barrier3A_12)
    %mul3A_13 = arith.constant 632 : i32
    %mul3A_14 = arith.muli %arg1, %mul3A_13 : i32
    %mul3A_15 = arith.constant 632 : i32
    %mul3A_16 = arith.muli %arg1, %mul3A_15 : i32
    "tpu.region"() ({
      %run_scoped3A = tpu.sem_alloc : memref<!tpu.dma_semaphore, #tpu.memory_space<semaphore_mem>>
      %dma_start3A = arith.constant 0 : i32
      %dma_start3A_17 = tpu.memref_slice %arg5[%arg0, %mul3A_16, %dma_start3A] : memref<2x10112x128xf32, #tpu.memory_space<hbm>> -> memref<1x632x128xf32, #tpu.memory_space<hbm>>
      %dma_start3A_18 = tpu.memref_squeeze %dma_start3A_17 : memref<1x632x128xf32, #tpu.memory_space<hbm>> -> memref<632x128xf32, #tpu.memory_space<hbm>>
      %dma_start3A_19 = arith.constant 0 : i32
      %dma_start3A_20 = tpu.memref_slice %arg8[%mul3A_14, %dma_start3A_19] : memref<10112x128xf32, #tpu.memory_space<vmem_shared>> -> memref<632x128xf32, #tpu.memory_space<vmem_shared>>
      tpu.enqueue_dma source(%dma_start3A_20 : memref<632x128xf32, #tpu.memory_space<vmem_shared>>) target(%dma_start3A_18 : memref<632x128xf32, #tpu.memory_space<hbm>>) target_semaphore(%run_scoped3A : memref<!tpu.dma_semaphore, #tpu.memory_space<semaphore_mem>>)
      %dma_wait3A = arith.constant 0 : i32
      %dma_wait3A_21 = tpu.memref_slice %arg5[%arg0, %mul3A_16, %dma_wait3A] : memref<2x10112x128xf32, #tpu.memory_space<hbm>> -> memref<1x632x128xf32, #tpu.memory_space<hbm>>
      %dma_wait3A_22 = tpu.memref_squeeze %dma_wait3A_21 : memref<1x632x128xf32, #tpu.memory_space<hbm>> -> memref<632x128xf32, #tpu.memory_space<hbm>>
      %dma_wait3A_23 = arith.constant 0 : i32
      %dma_wait3A_24 = tpu.memref_slice %arg8[%mul3A_14, %dma_wait3A_23] : memref<10112x128xf32, #tpu.memory_space<vmem_shared>> -> memref<632x128xf32, #tpu.memory_space<vmem_shared>>
      tpu.wait_dma2 semaphore(%run_scoped3A : memref<!tpu.dma_semaphore, #tpu.memory_space<semaphore_mem>>) src(%dma_wait3A_24 : memref<632x128xf32, #tpu.memory_space<vmem_shared>>) dst(%dma_wait3A_22 : memref<632x128xf32, #tpu.memory_space<hbm>>)
      tpu.yield
    }) : () -> ()
    return
  }
}

#map = affine_map<(d0, d1) -> (0, 0)>
#map1 = affine_map<(d0, d1) -> (0, 0, 0)>
module attributes {stable_mosaic.version = 14 : i64} {
  func.func @body(%arg0: i32, %arg1: i32, %arg2: memref<10000x128xf32, #tpu.memory_space<hbm>>, %arg3: memref<2528x2x128xi32, #tpu.memory_space<hbm>>, %arg4: memref<10112x128xf32, #tpu.memory_space<hbm>>, %arg5: memref<2x10112x128xf32, #tpu.memory_space<hbm>>, %arg6: memref<2x128xi32, #tpu.memory_space<vmem>>, %arg7: memref<2x128xi32, #tpu.memory_space<vmem>>, %arg8: memref<128x128xf32, #tpu.memory_space<vmem>>, %arg9: memref<128x128xf32, #tpu.memory_space<vmem>>, %arg10: memref<10112x128xf32, #tpu.memory_space<vmem_shared>>, %arg11: memref<!tpu.dma_semaphore, #tpu.memory_space<semaphore_mem>>, %arg12: memref<!tpu.dma_semaphore, #tpu.memory_space<semaphore_mem>>, %arg13: memref<!tpu.dma_semaphore, #tpu.memory_space<semaphore_mem>>, %arg14: memref<!tpu.dma_semaphore, #tpu.memory_space<semaphore_mem>>) attributes {dimension_semantics = [#tpu.dimension_semantics<core_parallel>, #tpu.dimension_semantics<subcore_parallel>], iteration_bounds = array<i64: 2, 16>, scalar_prefetch = 0 : i64, scratch_operands = 9 : i64, tpu.core_type = #tpu.core_type<sc_vector_subcore>, window_params = [{transform_indices = #map}, {transform_indices = #map1}, {transform_indices = #map}, {transform_indices = #map1}]} {
    %mul3A = arith.constant 632 : i32
    %mul3A_0 = arith.muli %arg1, %mul3A : i32
    %mul3A_1 = arith.constant 632 : i32
    %mul3A_2 = arith.muli %arg1, %mul3A_1 : i32
    "tpu.region"() ({
      %run_scoped3A = tpu.sem_alloc : memref<!tpu.dma_semaphore, #tpu.memory_space<semaphore_mem>>
      %dma_start3A_57 = arith.constant 0 : i32
      %dma_start3A_58 = tpu.memref_slice %arg10[%mul3A_2, %dma_start3A_57] : memref<10112x128xf32, #tpu.memory_space<vmem_shared>> -> memref<632x128xf32, #tpu.memory_space<vmem_shared>>
      %dma_start3A_59 = arith.constant 0 : i32
      %dma_start3A_60 = tpu.memref_slice %arg4[%mul3A_0, %dma_start3A_59] : memref<10112x128xf32, #tpu.memory_space<hbm>> -> memref<632x128xf32, #tpu.memory_space<hbm>>
      tpu.enqueue_dma source(%dma_start3A_60 : memref<632x128xf32, #tpu.memory_space<hbm>>) target(%dma_start3A_58 : memref<632x128xf32, #tpu.memory_space<vmem_shared>>) target_semaphore(%run_scoped3A : memref<!tpu.dma_semaphore, #tpu.memory_space<semaphore_mem>>)
      %dma_wait3A_61 = arith.constant 0 : i32
      %dma_wait3A_62 = tpu.memref_slice %arg10[%mul3A_2, %dma_wait3A_61] : memref<10112x128xf32, #tpu.memory_space<vmem_shared>> -> memref<632x128xf32, #tpu.memory_space<vmem_shared>>
      %dma_wait3A_63 = arith.constant 0 : i32
      %dma_wait3A_64 = tpu.memref_slice %arg4[%mul3A_0, %dma_wait3A_63] : memref<10112x128xf32, #tpu.memory_space<hbm>> -> memref<632x128xf32, #tpu.memory_space<hbm>>
      tpu.wait_dma2 semaphore(%run_scoped3A : memref<!tpu.dma_semaphore, #tpu.memory_space<semaphore_mem>>) src(%dma_wait3A_64 : memref<632x128xf32, #tpu.memory_space<hbm>>) dst(%dma_wait3A_62 : memref<632x128xf32, #tpu.memory_space<vmem_shared>>)
      tpu.yield
    }) : () -> ()
    %barrier3A = arith.constant 0 : index
    tpu.barrier barrier_id(%barrier3A)
    %eq3A = arith.constant 0 : i32
    %eq3A_3 = arith.cmpi eq, %arg0, %eq3A : i32
    %mul3A_4 = arith.constant 106 : i32
    %mul3A_5 = arith.muli %arg1, %mul3A_4 : i32
    %mul3A_6 = arith.constant 52 : i32
    %mul3A_7 = arith.muli %arg1, %mul3A_6 : i32
    %add3A = arith.constant 1696 : i32
    %add3A_8 = arith.addi %add3A, %mul3A_7 : i32
    %select_n3A = arith.select %eq3A_3, %mul3A_5, %add3A_8 : i32
    %eq3A_9 = arith.constant 0 : i32
    %eq3A_10 = arith.cmpi eq, %arg0, %eq3A_9 : i32
    %jit3A = arith.constant 106 : i32
    %jit3A_11 = arith.constant 52 : i32
    %select_n3A_12 = arith.select %eq3A_10, %jit3A, %jit3A_11 : i32
    %jit3A_13 = arith.constant 2 : i32
    %div3A = arith.divsi %select_n3A_12, %jit3A_13 : i32
    %sign3A = arith.constant 0 : i32
    %sign3A_14 = arith.cmpi sgt, %select_n3A_12, %sign3A : i32
    %sign3A_15 = arith.extui %sign3A_14 : i1 to i32
    %sign3A_16 = arith.constant 0 : i32
    %sign3A_17 = arith.cmpi slt, %select_n3A_12, %sign3A_16 : i32
    %sign3A_18 = arith.extui %sign3A_17 : i1 to i32
    %sign3A_19 = arith.subi %sign3A_15, %sign3A_18 : i32
    %sign3A_20 = arith.constant 0 : i32
    %sign3A_21 = arith.cmpi sgt, %jit3A_13, %sign3A_20 : i32
    %sign3A_22 = arith.extui %sign3A_21 : i1 to i32
    %sign3A_23 = arith.constant 0 : i32
    %sign3A_24 = arith.cmpi slt, %jit3A_13, %sign3A_23 : i32
    %sign3A_25 = arith.extui %sign3A_24 : i1 to i32
    %sign3A_26 = arith.subi %sign3A_22, %sign3A_25 : i32
    %ne3A = arith.cmpi ne, %sign3A_19, %sign3A_26 : i32
    %rem3A = arith.remsi %select_n3A_12, %jit3A_13 : i32
    %ne3A_27 = arith.constant 0 : i32
    %ne3A_28 = arith.cmpi ne, %rem3A, %ne3A_27 : i32
    %and3A = arith.andi %ne3A, %ne3A_28 : i1
    %sub3A = arith.constant 1 : i32
    %sub3A_29 = arith.subi %div3A, %sub3A : i32
    %select_n3A_30 = arith.select %and3A, %sub3A_29, %div3A : i32
    "tpu.region"() ({
      %run_scoped3A = tpu.sem_alloc : memref<!tpu.dma_semaphore, #tpu.memory_space<semaphore_mem>>
      %dma_start3A_57 = arith.constant 0 : i32
      %dma_start3A_58 = arith.constant 0 : i32
      %dma_start3A_59 = tpu.memref_slice %arg3[%select_n3A, %dma_start3A_57, %dma_start3A_58] : memref<2528x2x128xi32, #tpu.memory_space<hbm>> -> memref<1x2x128xi32, #tpu.memory_space<hbm>>
      %dma_start3A_60 = tpu.memref_squeeze %dma_start3A_59 : memref<1x2x128xi32, #tpu.memory_space<hbm>> -> memref<2x128xi32, #tpu.memory_space<hbm>>
      %dma_start3A_61 = arith.constant 0 : i32
      %dma_start3A_62 = arith.constant 0 : i32
      %dma_start3A_63 = tpu.memref_slice %arg3[%select_n3A, %dma_start3A_61, %dma_start3A_62] : memref<2528x2x128xi32, #tpu.memory_space<hbm>> -> memref<1x2x128xi32, #tpu.memory_space<hbm>>
      %dma_start3A_64 = tpu.memref_squeeze %dma_start3A_63 : memref<1x2x128xi32, #tpu.memory_space<hbm>> -> memref<2x128xi32, #tpu.memory_space<hbm>>
      tpu.enqueue_dma source(%dma_start3A_64 : memref<2x128xi32, #tpu.memory_space<hbm>>) target(%arg6 : memref<2x128xi32, #tpu.memory_space<vmem>>) target_semaphore(%run_scoped3A : memref<!tpu.dma_semaphore, #tpu.memory_space<semaphore_mem>>)
      %dma_wait3A_65 = arith.constant 0 : i32
      %dma_wait3A_66 = arith.constant 0 : i32
      %dma_wait3A_67 = tpu.memref_slice %arg3[%select_n3A, %dma_wait3A_65, %dma_wait3A_66] : memref<2528x2x128xi32, #tpu.memory_space<hbm>> -> memref<1x2x128xi32, #tpu.memory_space<hbm>>
      %dma_wait3A_68 = tpu.memref_squeeze %dma_wait3A_67 : memref<1x2x128xi32, #tpu.memory_space<hbm>> -> memref<2x128xi32, #tpu.memory_space<hbm>>
      %dma_wait3A_69 = arith.constant 0 : i32
      %dma_wait3A_70 = arith.constant 0 : i32
      %dma_wait3A_71 = tpu.memref_slice %arg3[%select_n3A, %dma_wait3A_69, %dma_wait3A_70] : memref<2528x2x128xi32, #tpu.memory_space<hbm>> -> memref<1x2x128xi32, #tpu.memory_space<hbm>>
      %dma_wait3A_72 = tpu.memref_squeeze %dma_wait3A_71 : memref<1x2x128xi32, #tpu.memory_space<hbm>> -> memref<2x128xi32, #tpu.memory_space<hbm>>
      tpu.wait_dma2 semaphore(%run_scoped3A : memref<!tpu.dma_semaphore, #tpu.memory_space<semaphore_mem>>) src(%dma_wait3A_72 : memref<2x128xi32, #tpu.memory_space<hbm>>) dst(%arg6 : memref<2x128xi32, #tpu.memory_space<vmem>>)
      tpu.yield
    }) : () -> ()
    %dma_start3A = arith.constant 0 : i32
    %dma_start3A_31 = arith.constant 0 : i32
    %dma_start3A_32 = tpu.memref_slice %arg6[%dma_start3A, %dma_start3A_31] : memref<2x128xi32, #tpu.memory_space<vmem>> -> memref<1x128xi32, #tpu.memory_space<vmem>>
    %dma_start3A_33 = tpu.memref_squeeze %dma_start3A_32 : memref<1x128xi32, #tpu.memory_space<vmem>> -> memref<128xi32, #tpu.memory_space<vmem>>
    %dma_start3A_34 = arith.constant 0 : i32
    %dma_start3A_35 = arith.constant 0 : i32
    %dma_start3A_36 = tpu.memref_slice %arg2[%dma_start3A_34, %dma_start3A_35] : memref<10000x128xf32, #tpu.memory_space<hbm>> -> memref<10000x128xf32, #tpu.memory_space<hbm>>
    tpu.enqueue_indirect_dma source(%dma_start3A_36 : memref<10000x128xf32, #tpu.memory_space<hbm>>) target(%arg8 : memref<128x128xf32, #tpu.memory_space<vmem>>) offsets(%dma_start3A_33 : memref<128xi32, #tpu.memory_space<vmem>>) semaphore(%arg11 : memref<!tpu.dma_semaphore, #tpu.memory_space<semaphore_mem>>)
    %while3A = arith.constant 0 : i32
    %while3A_37 = arith.constant 0 : i32
    %while3A_38 = arith.subi %select_n3A_30, %while3A_37 : i32
    %while3A_39 = arith.addi %while3A_37, %while3A_38 : i32
    %while3A_40 = arith.constant 1 : i32
    %while3A_41 = arith.divsi %while3A_38, %while3A_40 : i32
    %while3A_42 = arith.muli %while3A_41, %while3A_40 : i32
    %while3A_43 = arith.addi %while3A_37, %while3A_42 : i32
    %while3A_44 = arith.constant 1 : i32
    scf.for %while3A_57 = %while3A_37 to %while3A_43 step %while3A_44  : i32 {
      %mul3A_58 = arith.constant 2 : i32
      %mul3A_59 = arith.muli %mul3A_58, %while3A_57 : i32
      %add3A_60 = arith.addi %select_n3A, %mul3A_59 : i32
      %dma_wait3A_61 = arith.constant 0 : i32
      %dma_wait3A_62 = arith.constant 0 : i32
      %dma_wait3A_63 = tpu.memref_slice %arg6[%dma_wait3A_61, %dma_wait3A_62] : memref<2x128xi32, #tpu.memory_space<vmem>> -> memref<1x128xi32, #tpu.memory_space<vmem>>
      %dma_wait3A_64 = tpu.memref_squeeze %dma_wait3A_63 : memref<1x128xi32, #tpu.memory_space<vmem>> -> memref<128xi32, #tpu.memory_space<vmem>>
      %dma_wait3A_65 = arith.constant 0 : i32
      %dma_wait3A_66 = arith.constant 0 : i32
      %dma_wait3A_67 = tpu.memref_slice %arg2[%dma_wait3A_65, %dma_wait3A_66] : memref<10000x128xf32, #tpu.memory_space<hbm>> -> memref<10000x128xf32, #tpu.memory_space<hbm>>
      tpu.wait_indirect_dma semaphore(%arg11 : memref<!tpu.dma_semaphore, #tpu.memory_space<semaphore_mem>>) src(%dma_wait3A_67 : memref<10000x128xf32, #tpu.memory_space<hbm>>) dst(%arg8 : memref<128x128xf32, #tpu.memory_space<vmem>>)
      %dma_start3A_68 = arith.constant 1 : i32
      %dma_start3A_69 = arith.constant 0 : i32
      %dma_start3A_70 = tpu.memref_slice %arg6[%dma_start3A_68, %dma_start3A_69] : memref<2x128xi32, #tpu.memory_space<vmem>> -> memref<1x128xi32, #tpu.memory_space<vmem>>
      %dma_start3A_71 = tpu.memref_squeeze %dma_start3A_70 : memref<1x128xi32, #tpu.memory_space<vmem>> -> memref<128xi32, #tpu.memory_space<vmem>>
      %dma_start3A_72 = arith.constant 0 : i32
      %dma_start3A_73 = arith.constant 0 : i32
      %dma_start3A_74 = tpu.memref_slice %arg10[%dma_start3A_72, %dma_start3A_73] : memref<10112x128xf32, #tpu.memory_space<vmem_shared>> -> memref<10112x128xf32, #tpu.memory_space<vmem_shared>>
      tpu.enqueue_indirect_dma source(%arg8 : memref<128x128xf32, #tpu.memory_space<vmem>>) target(%dma_start3A_74 : memref<10112x128xf32, #tpu.memory_space<vmem_shared>>) offsets(%dma_start3A_71 : memref<128xi32, #tpu.memory_space<vmem>>) semaphore(%arg13 : memref<!tpu.dma_semaphore, #tpu.memory_space<semaphore_mem>>) {add = true}
      %gt3A = arith.constant 0 : i32
      %gt3A_75 = arith.cmpi sgt, %while3A_57, %gt3A : i32
      %convert_element_type3A = arith.extui %gt3A_75 : i1 to i32
      %cond3A = arith.constant 0 : i32
      %cond3A_76 = arith.cmpi ne, %convert_element_type3A, %cond3A : i32
      scf.if %cond3A_76 {
        %dma_wait3A_112 = arith.constant 1 : i32
        %dma_wait3A_113 = arith.constant 0 : i32
        %dma_wait3A_114 = tpu.memref_slice %arg7[%dma_wait3A_112, %dma_wait3A_113] : memref<2x128xi32, #tpu.memory_space<vmem>> -> memref<1x128xi32, #tpu.memory_space<vmem>>
        %dma_wait3A_115 = tpu.memref_squeeze %dma_wait3A_114 : memref<1x128xi32, #tpu.memory_space<vmem>> -> memref<128xi32, #tpu.memory_space<vmem>>
        %dma_wait3A_116 = arith.constant 0 : i32
        %dma_wait3A_117 = arith.constant 0 : i32
        %dma_wait3A_118 = tpu.memref_slice %arg10[%dma_wait3A_116, %dma_wait3A_117] : memref<10112x128xf32, #tpu.memory_space<vmem_shared>> -> memref<10112x128xf32, #tpu.memory_space<vmem_shared>>
        tpu.wait_indirect_dma semaphore(%arg14 : memref<!tpu.dma_semaphore, #tpu.memory_space<semaphore_mem>>) src(%arg9 : memref<128x128xf32, #tpu.memory_space<vmem>>) dst(%dma_wait3A_118 : memref<10112x128xf32, #tpu.memory_space<vmem_shared>>)
      } else {
      }
      %add3A_77 = arith.constant 1 : i32
      %add3A_78 = arith.addi %add3A_60, %add3A_77 : i32
      "tpu.region"() ({
        %run_scoped3A = tpu.sem_alloc : memref<!tpu.dma_semaphore, #tpu.memory_space<semaphore_mem>>
        %dma_start3A_112 = arith.constant 0 : i32
        %dma_start3A_113 = arith.constant 0 : i32
        %dma_start3A_114 = tpu.memref_slice %arg3[%add3A_78, %dma_start3A_112, %dma_start3A_113] : memref<2528x2x128xi32, #tpu.memory_space<hbm>> -> memref<1x2x128xi32, #tpu.memory_space<hbm>>
        %dma_start3A_115 = tpu.memref_squeeze %dma_start3A_114 : memref<1x2x128xi32, #tpu.memory_space<hbm>> -> memref<2x128xi32, #tpu.memory_space<hbm>>
        %dma_start3A_116 = arith.constant 0 : i32
        %dma_start3A_117 = arith.constant 0 : i32
        %dma_start3A_118 = tpu.memref_slice %arg3[%add3A_78, %dma_start3A_116, %dma_start3A_117] : memref<2528x2x128xi32, #tpu.memory_space<hbm>> -> memref<1x2x128xi32, #tpu.memory_space<hbm>>
        %dma_start3A_119 = tpu.memref_squeeze %dma_start3A_118 : memref<1x2x128xi32, #tpu.memory_space<hbm>> -> memref<2x128xi32, #tpu.memory_space<hbm>>
        tpu.enqueue_dma source(%dma_start3A_119 : memref<2x128xi32, #tpu.memory_space<hbm>>) target(%arg7 : memref<2x128xi32, #tpu.memory_space<vmem>>) target_semaphore(%run_scoped3A : memref<!tpu.dma_semaphore, #tpu.memory_space<semaphore_mem>>)
        %dma_wait3A_120 = arith.constant 0 : i32
        %dma_wait3A_121 = arith.constant 0 : i32
        %dma_wait3A_122 = tpu.memref_slice %arg3[%add3A_78, %dma_wait3A_120, %dma_wait3A_121] : memref<2528x2x128xi32, #tpu.memory_space<hbm>> -> memref<1x2x128xi32, #tpu.memory_space<hbm>>
        %dma_wait3A_123 = tpu.memref_squeeze %dma_wait3A_122 : memref<1x2x128xi32, #tpu.memory_space<hbm>> -> memref<2x128xi32, #tpu.memory_space<hbm>>
        %dma_wait3A_124 = arith.constant 0 : i32
        %dma_wait3A_125 = arith.constant 0 : i32
        %dma_wait3A_126 = tpu.memref_slice %arg3[%add3A_78, %dma_wait3A_124, %dma_wait3A_125] : memref<2528x2x128xi32, #tpu.memory_space<hbm>> -> memref<1x2x128xi32, #tpu.memory_space<hbm>>
        %dma_wait3A_127 = tpu.memref_squeeze %dma_wait3A_126 : memref<1x2x128xi32, #tpu.memory_space<hbm>> -> memref<2x128xi32, #tpu.memory_space<hbm>>
        tpu.wait_dma2 semaphore(%run_scoped3A : memref<!tpu.dma_semaphore, #tpu.memory_space<semaphore_mem>>) src(%dma_wait3A_127 : memref<2x128xi32, #tpu.memory_space<hbm>>) dst(%arg7 : memref<2x128xi32, #tpu.memory_space<vmem>>)
        tpu.yield
      }) : () -> ()
      %dma_start3A_79 = arith.constant 0 : i32
      %dma_start3A_80 = arith.constant 0 : i32
      %dma_start3A_81 = tpu.memref_slice %arg7[%dma_start3A_79, %dma_start3A_80] : memref<2x128xi32, #tpu.memory_space<vmem>> -> memref<1x128xi32, #tpu.memory_space<vmem>>
      %dma_start3A_82 = tpu.memref_squeeze %dma_start3A_81 : memref<1x128xi32, #tpu.memory_space<vmem>> -> memref<128xi32, #tpu.memory_space<vmem>>
      %dma_start3A_83 = arith.constant 0 : i32
      %dma_start3A_84 = arith.constant 0 : i32
      %dma_start3A_85 = tpu.memref_slice %arg2[%dma_start3A_83, %dma_start3A_84] : memref<10000x128xf32, #tpu.memory_space<hbm>> -> memref<10000x128xf32, #tpu.memory_space<hbm>>
      tpu.enqueue_indirect_dma source(%dma_start3A_85 : memref<10000x128xf32, #tpu.memory_space<hbm>>) target(%arg9 : memref<128x128xf32, #tpu.memory_space<vmem>>) offsets(%dma_start3A_82 : memref<128xi32, #tpu.memory_space<vmem>>) semaphore(%arg12 : memref<!tpu.dma_semaphore, #tpu.memory_space<semaphore_mem>>)
      %dma_wait3A_86 = arith.constant 0 : i32
      %dma_wait3A_87 = arith.constant 0 : i32
      %dma_wait3A_88 = tpu.memref_slice %arg7[%dma_wait3A_86, %dma_wait3A_87] : memref<2x128xi32, #tpu.memory_space<vmem>> -> memref<1x128xi32, #tpu.memory_space<vmem>>
      %dma_wait3A_89 = tpu.memref_squeeze %dma_wait3A_88 : memref<1x128xi32, #tpu.memory_space<vmem>> -> memref<128xi32, #tpu.memory_space<vmem>>
      %dma_wait3A_90 = arith.constant 0 : i32
      %dma_wait3A_91 = arith.constant 0 : i32
      %dma_wait3A_92 = tpu.memref_slice %arg2[%dma_wait3A_90, %dma_wait3A_91] : memref<10000x128xf32, #tpu.memory_space<hbm>> -> memref<10000x128xf32, #tpu.memory_space<hbm>>
      tpu.wait_indirect_dma semaphore(%arg12 : memref<!tpu.dma_semaphore, #tpu.memory_space<semaphore_mem>>) src(%dma_wait3A_92 : memref<10000x128xf32, #tpu.memory_space<hbm>>) dst(%arg9 : memref<128x128xf32, #tpu.memory_space<vmem>>)
      %dma_start3A_93 = arith.constant 1 : i32
      %dma_start3A_94 = arith.constant 0 : i32
      %dma_start3A_95 = tpu.memref_slice %arg7[%dma_start3A_93, %dma_start3A_94] : memref<2x128xi32, #tpu.memory_space<vmem>> -> memref<1x128xi32, #tpu.memory_space<vmem>>
      %dma_start3A_96 = tpu.memref_squeeze %dma_start3A_95 : memref<1x128xi32, #tpu.memory_space<vmem>> -> memref<128xi32, #tpu.memory_space<vmem>>
      %dma_start3A_97 = arith.constant 0 : i32
      %dma_start3A_98 = arith.constant 0 : i32
      %dma_start3A_99 = tpu.memref_slice %arg10[%dma_start3A_97, %dma_start3A_98] : memref<10112x128xf32, #tpu.memory_space<vmem_shared>> -> memref<10112x128xf32, #tpu.memory_space<vmem_shared>>
      tpu.enqueue_indirect_dma source(%arg9 : memref<128x128xf32, #tpu.memory_space<vmem>>) target(%dma_start3A_99 : memref<10112x128xf32, #tpu.memory_space<vmem_shared>>) offsets(%dma_start3A_96 : memref<128xi32, #tpu.memory_space<vmem>>) semaphore(%arg14 : memref<!tpu.dma_semaphore, #tpu.memory_space<semaphore_mem>>) {add = true}
      %dma_wait3A_100 = arith.constant 1 : i32
      %dma_wait3A_101 = arith.constant 0 : i32
      %dma_wait3A_102 = tpu.memref_slice %arg6[%dma_wait3A_100, %dma_wait3A_101] : memref<2x128xi32, #tpu.memory_space<vmem>> -> memref<1x128xi32, #tpu.memory_space<vmem>>
      %dma_wait3A_103 = tpu.memref_squeeze %dma_wait3A_102 : memref<1x128xi32, #tpu.memory_space<vmem>> -> memref<128xi32, #tpu.memory_space<vmem>>
      %dma_wait3A_104 = arith.constant 0 : i32
      %dma_wait3A_105 = arith.constant 0 : i32
      %dma_wait3A_106 = tpu.memref_slice %arg10[%dma_wait3A_104, %dma_wait3A_105] : memref<10112x128xf32, #tpu.memory_space<vmem_shared>> -> memref<10112x128xf32, #tpu.memory_space<vmem_shared>>
      tpu.wait_indirect_dma semaphore(%arg13 : memref<!tpu.dma_semaphore, #tpu.memory_space<semaphore_mem>>) src(%arg8 : memref<128x128xf32, #tpu.memory_space<vmem>>) dst(%dma_wait3A_106 : memref<10112x128xf32, #tpu.memory_space<vmem_shared>>)
      %add3A_107 = arith.constant 1 : i32
      %add3A_108 = arith.addi %while3A_57, %add3A_107 : i32
      %lt3A = arith.cmpi slt, %add3A_108, %select_n3A_30 : i32
      %convert_element_type3A_109 = arith.extui %lt3A : i1 to i32
      %cond3A_110 = arith.constant 0 : i32
      %cond3A_111 = arith.cmpi ne, %convert_element_type3A_109, %cond3A_110 : i32
      scf.if %cond3A_111 {
        %add3A_112 = arith.constant 2 : i32
        %add3A_113 = arith.addi %add3A_60, %add3A_112 : i32
        "tpu.region"() ({
          %run_scoped3A = tpu.sem_alloc : memref<!tpu.dma_semaphore, #tpu.memory_space<semaphore_mem>>
          %dma_start3A_121 = arith.constant 0 : i32
          %dma_start3A_122 = arith.constant 0 : i32
          %dma_start3A_123 = tpu.memref_slice %arg3[%add3A_113, %dma_start3A_121, %dma_start3A_122] : memref<2528x2x128xi32, #tpu.memory_space<hbm>> -> memref<1x2x128xi32, #tpu.memory_space<hbm>>
          %dma_start3A_124 = tpu.memref_squeeze %dma_start3A_123 : memref<1x2x128xi32, #tpu.memory_space<hbm>> -> memref<2x128xi32, #tpu.memory_space<hbm>>
          %dma_start3A_125 = arith.constant 0 : i32
          %dma_start3A_126 = arith.constant 0 : i32
          %dma_start3A_127 = tpu.memref_slice %arg3[%add3A_113, %dma_start3A_125, %dma_start3A_126] : memref<2528x2x128xi32, #tpu.memory_space<hbm>> -> memref<1x2x128xi32, #tpu.memory_space<hbm>>
          %dma_start3A_128 = tpu.memref_squeeze %dma_start3A_127 : memref<1x2x128xi32, #tpu.memory_space<hbm>> -> memref<2x128xi32, #tpu.memory_space<hbm>>
          tpu.enqueue_dma source(%dma_start3A_128 : memref<2x128xi32, #tpu.memory_space<hbm>>) target(%arg6 : memref<2x128xi32, #tpu.memory_space<vmem>>) target_semaphore(%run_scoped3A : memref<!tpu.dma_semaphore, #tpu.memory_space<semaphore_mem>>)
          %dma_wait3A_129 = arith.constant 0 : i32
          %dma_wait3A_130 = arith.constant 0 : i32
          %dma_wait3A_131 = tpu.memref_slice %arg3[%add3A_113, %dma_wait3A_129, %dma_wait3A_130] : memref<2528x2x128xi32, #tpu.memory_space<hbm>> -> memref<1x2x128xi32, #tpu.memory_space<hbm>>
          %dma_wait3A_132 = tpu.memref_squeeze %dma_wait3A_131 : memref<1x2x128xi32, #tpu.memory_space<hbm>> -> memref<2x128xi32, #tpu.memory_space<hbm>>
          %dma_wait3A_133 = arith.constant 0 : i32
          %dma_wait3A_134 = arith.constant 0 : i32
          %dma_wait3A_135 = tpu.memref_slice %arg3[%add3A_113, %dma_wait3A_133, %dma_wait3A_134] : memref<2528x2x128xi32, #tpu.memory_space<hbm>> -> memref<1x2x128xi32, #tpu.memory_space<hbm>>
          %dma_wait3A_136 = tpu.memref_squeeze %dma_wait3A_135 : memref<1x2x128xi32, #tpu.memory_space<hbm>> -> memref<2x128xi32, #tpu.memory_space<hbm>>
          tpu.wait_dma2 semaphore(%run_scoped3A : memref<!tpu.dma_semaphore, #tpu.memory_space<semaphore_mem>>) src(%dma_wait3A_136 : memref<2x128xi32, #tpu.memory_space<hbm>>) dst(%arg6 : memref<2x128xi32, #tpu.memory_space<vmem>>)
          tpu.yield
        }) : () -> ()
        %dma_start3A_114 = arith.constant 0 : i32
        %dma_start3A_115 = arith.constant 0 : i32
        %dma_start3A_116 = tpu.memref_slice %arg6[%dma_start3A_114, %dma_start3A_115] : memref<2x128xi32, #tpu.memory_space<vmem>> -> memref<1x128xi32, #tpu.memory_space<vmem>>
        %dma_start3A_117 = tpu.memref_squeeze %dma_start3A_116 : memref<1x128xi32, #tpu.memory_space<vmem>> -> memref<128xi32, #tpu.memory_space<vmem>>
        %dma_start3A_118 = arith.constant 0 : i32
        %dma_start3A_119 = arith.constant 0 : i32
        %dma_start3A_120 = tpu.memref_slice %arg2[%dma_start3A_118, %dma_start3A_119] : memref<10000x128xf32, #tpu.memory_space<hbm>> -> memref<10000x128xf32, #tpu.memory_space<hbm>>
        tpu.enqueue_indirect_dma source(%dma_start3A_120 : memref<10000x128xf32, #tpu.memory_space<hbm>>) target(%arg8 : memref<128x128xf32, #tpu.memory_space<vmem>>) offsets(%dma_start3A_117 : memref<128xi32, #tpu.memory_space<vmem>>) semaphore(%arg11 : memref<!tpu.dma_semaphore, #tpu.memory_space<semaphore_mem>>)
      } else {
      }
    }
    %while3A_45 = arith.constant 1 : i32
    scf.for %while3A_57 = %while3A_43 to %while3A_39 step %while3A_45  : i32 {
      %mul3A_58 = arith.constant 2 : i32
      %mul3A_59 = arith.muli %mul3A_58, %while3A_57 : i32
      %add3A_60 = arith.addi %select_n3A, %mul3A_59 : i32
      %dma_wait3A_61 = arith.constant 0 : i32
      %dma_wait3A_62 = arith.constant 0 : i32
      %dma_wait3A_63 = tpu.memref_slice %arg6[%dma_wait3A_61, %dma_wait3A_62] : memref<2x128xi32, #tpu.memory_space<vmem>> -> memref<1x128xi32, #tpu.memory_space<vmem>>
      %dma_wait3A_64 = tpu.memref_squeeze %dma_wait3A_63 : memref<1x128xi32, #tpu.memory_space<vmem>> -> memref<128xi32, #tpu.memory_space<vmem>>
      %dma_wait3A_65 = arith.constant 0 : i32
      %dma_wait3A_66 = arith.constant 0 : i32
      %dma_wait3A_67 = tpu.memref_slice %arg2[%dma_wait3A_65, %dma_wait3A_66] : memref<10000x128xf32, #tpu.memory_space<hbm>> -> memref<10000x128xf32, #tpu.memory_space<hbm>>
      tpu.wait_indirect_dma semaphore(%arg11 : memref<!tpu.dma_semaphore, #tpu.memory_space<semaphore_mem>>) src(%dma_wait3A_67 : memref<10000x128xf32, #tpu.memory_space<hbm>>) dst(%arg8 : memref<128x128xf32, #tpu.memory_space<vmem>>)
      %dma_start3A_68 = arith.constant 1 : i32
      %dma_start3A_69 = arith.constant 0 : i32
      %dma_start3A_70 = tpu.memref_slice %arg6[%dma_start3A_68, %dma_start3A_69] : memref<2x128xi32, #tpu.memory_space<vmem>> -> memref<1x128xi32, #tpu.memory_space<vmem>>
      %dma_start3A_71 = tpu.memref_squeeze %dma_start3A_70 : memref<1x128xi32, #tpu.memory_space<vmem>> -> memref<128xi32, #tpu.memory_space<vmem>>
      %dma_start3A_72 = arith.constant 0 : i32
      %dma_start3A_73 = arith.constant 0 : i32
      %dma_start3A_74 = tpu.memref_slice %arg10[%dma_start3A_72, %dma_start3A_73] : memref<10112x128xf32, #tpu.memory_space<vmem_shared>> -> memref<10112x128xf32, #tpu.memory_space<vmem_shared>>
      tpu.enqueue_indirect_dma source(%arg8 : memref<128x128xf32, #tpu.memory_space<vmem>>) target(%dma_start3A_74 : memref<10112x128xf32, #tpu.memory_space<vmem_shared>>) offsets(%dma_start3A_71 : memref<128xi32, #tpu.memory_space<vmem>>) semaphore(%arg13 : memref<!tpu.dma_semaphore, #tpu.memory_space<semaphore_mem>>) {add = true}
      %gt3A = arith.constant 0 : i32
      %gt3A_75 = arith.cmpi sgt, %while3A_57, %gt3A : i32
      %convert_element_type3A = arith.extui %gt3A_75 : i1 to i32
      %cond3A = arith.constant 0 : i32
      %cond3A_76 = arith.cmpi ne, %convert_element_type3A, %cond3A : i32
      scf.if %cond3A_76 {
        %dma_wait3A_112 = arith.constant 1 : i32
        %dma_wait3A_113 = arith.constant 0 : i32
        %dma_wait3A_114 = tpu.memref_slice %arg7[%dma_wait3A_112, %dma_wait3A_113] : memref<2x128xi32, #tpu.memory_space<vmem>> -> memref<1x128xi32, #tpu.memory_space<vmem>>
        %dma_wait3A_115 = tpu.memref_squeeze %dma_wait3A_114 : memref<1x128xi32, #tpu.memory_space<vmem>> -> memref<128xi32, #tpu.memory_space<vmem>>
        %dma_wait3A_116 = arith.constant 0 : i32
        %dma_wait3A_117 = arith.constant 0 : i32
        %dma_wait3A_118 = tpu.memref_slice %arg10[%dma_wait3A_116, %dma_wait3A_117] : memref<10112x128xf32, #tpu.memory_space<vmem_shared>> -> memref<10112x128xf32, #tpu.memory_space<vmem_shared>>
        tpu.wait_indirect_dma semaphore(%arg14 : memref<!tpu.dma_semaphore, #tpu.memory_space<semaphore_mem>>) src(%arg9 : memref<128x128xf32, #tpu.memory_space<vmem>>) dst(%dma_wait3A_118 : memref<10112x128xf32, #tpu.memory_space<vmem_shared>>)
      } else {
      }
      %add3A_77 = arith.constant 1 : i32
      %add3A_78 = arith.addi %add3A_60, %add3A_77 : i32
      "tpu.region"() ({
        %run_scoped3A = tpu.sem_alloc : memref<!tpu.dma_semaphore, #tpu.memory_space<semaphore_mem>>
        %dma_start3A_112 = arith.constant 0 : i32
        %dma_start3A_113 = arith.constant 0 : i32
        %dma_start3A_114 = tpu.memref_slice %arg3[%add3A_78, %dma_start3A_112, %dma_start3A_113] : memref<2528x2x128xi32, #tpu.memory_space<hbm>> -> memref<1x2x128xi32, #tpu.memory_space<hbm>>
        %dma_start3A_115 = tpu.memref_squeeze %dma_start3A_114 : memref<1x2x128xi32, #tpu.memory_space<hbm>> -> memref<2x128xi32, #tpu.memory_space<hbm>>
        %dma_start3A_116 = arith.constant 0 : i32
        %dma_start3A_117 = arith.constant 0 : i32
        %dma_start3A_118 = tpu.memref_slice %arg3[%add3A_78, %dma_start3A_116, %dma_start3A_117] : memref<2528x2x128xi32, #tpu.memory_space<hbm>> -> memref<1x2x128xi32, #tpu.memory_space<hbm>>
        %dma_start3A_119 = tpu.memref_squeeze %dma_start3A_118 : memref<1x2x128xi32, #tpu.memory_space<hbm>> -> memref<2x128xi32, #tpu.memory_space<hbm>>
        tpu.enqueue_dma source(%dma_start3A_119 : memref<2x128xi32, #tpu.memory_space<hbm>>) target(%arg7 : memref<2x128xi32, #tpu.memory_space<vmem>>) target_semaphore(%run_scoped3A : memref<!tpu.dma_semaphore, #tpu.memory_space<semaphore_mem>>)
        %dma_wait3A_120 = arith.constant 0 : i32
        %dma_wait3A_121 = arith.constant 0 : i32
        %dma_wait3A_122 = tpu.memref_slice %arg3[%add3A_78, %dma_wait3A_120, %dma_wait3A_121] : memref<2528x2x128xi32, #tpu.memory_space<hbm>> -> memref<1x2x128xi32, #tpu.memory_space<hbm>>
        %dma_wait3A_123 = tpu.memref_squeeze %dma_wait3A_122 : memref<1x2x128xi32, #tpu.memory_space<hbm>> -> memref<2x128xi32, #tpu.memory_space<hbm>>
        %dma_wait3A_124 = arith.constant 0 : i32
        %dma_wait3A_125 = arith.constant 0 : i32
        %dma_wait3A_126 = tpu.memref_slice %arg3[%add3A_78, %dma_wait3A_124, %dma_wait3A_125] : memref<2528x2x128xi32, #tpu.memory_space<hbm>> -> memref<1x2x128xi32, #tpu.memory_space<hbm>>
        %dma_wait3A_127 = tpu.memref_squeeze %dma_wait3A_126 : memref<1x2x128xi32, #tpu.memory_space<hbm>> -> memref<2x128xi32, #tpu.memory_space<hbm>>
        tpu.wait_dma2 semaphore(%run_scoped3A : memref<!tpu.dma_semaphore, #tpu.memory_space<semaphore_mem>>) src(%dma_wait3A_127 : memref<2x128xi32, #tpu.memory_space<hbm>>) dst(%arg7 : memref<2x128xi32, #tpu.memory_space<vmem>>)
        tpu.yield
      }) : () -> ()
      %dma_start3A_79 = arith.constant 0 : i32
      %dma_start3A_80 = arith.constant 0 : i32
      %dma_start3A_81 = tpu.memref_slice %arg7[%dma_start3A_79, %dma_start3A_80] : memref<2x128xi32, #tpu.memory_space<vmem>> -> memref<1x128xi32, #tpu.memory_space<vmem>>
      %dma_start3A_82 = tpu.memref_squeeze %dma_start3A_81 : memref<1x128xi32, #tpu.memory_space<vmem>> -> memref<128xi32, #tpu.memory_space<vmem>>
      %dma_start3A_83 = arith.constant 0 : i32
      %dma_start3A_84 = arith.constant 0 : i32
      %dma_start3A_85 = tpu.memref_slice %arg2[%dma_start3A_83, %dma_start3A_84] : memref<10000x128xf32, #tpu.memory_space<hbm>> -> memref<10000x128xf32, #tpu.memory_space<hbm>>
      tpu.enqueue_indirect_dma source(%dma_start3A_85 : memref<10000x128xf32, #tpu.memory_space<hbm>>) target(%arg9 : memref<128x128xf32, #tpu.memory_space<vmem>>) offsets(%dma_start3A_82 : memref<128xi32, #tpu.memory_space<vmem>>) semaphore(%arg12 : memref<!tpu.dma_semaphore, #tpu.memory_space<semaphore_mem>>)
      %dma_wait3A_86 = arith.constant 0 : i32
      %dma_wait3A_87 = arith.constant 0 : i32
      %dma_wait3A_88 = tpu.memref_slice %arg7[%dma_wait3A_86, %dma_wait3A_87] : memref<2x128xi32, #tpu.memory_space<vmem>> -> memref<1x128xi32, #tpu.memory_space<vmem>>
      %dma_wait3A_89 = tpu.memref_squeeze %dma_wait3A_88 : memref<1x128xi32, #tpu.memory_space<vmem>> -> memref<128xi32, #tpu.memory_space<vmem>>
      %dma_wait3A_90 = arith.constant 0 : i32
      %dma_wait3A_91 = arith.constant 0 : i32
      %dma_wait3A_92 = tpu.memref_slice %arg2[%dma_wait3A_90, %dma_wait3A_91] : memref<10000x128xf32, #tpu.memory_space<hbm>> -> memref<10000x128xf32, #tpu.memory_space<hbm>>
      tpu.wait_indirect_dma semaphore(%arg12 : memref<!tpu.dma_semaphore, #tpu.memory_space<semaphore_mem>>) src(%dma_wait3A_92 : memref<10000x128xf32, #tpu.memory_space<hbm>>) dst(%arg9 : memref<128x128xf32, #tpu.memory_space<vmem>>)
      %dma_start3A_93 = arith.constant 1 : i32
      %dma_start3A_94 = arith.constant 0 : i32
      %dma_start3A_95 = tpu.memref_slice %arg7[%dma_start3A_93, %dma_start3A_94] : memref<2x128xi32, #tpu.memory_space<vmem>> -> memref<1x128xi32, #tpu.memory_space<vmem>>
      %dma_start3A_96 = tpu.memref_squeeze %dma_start3A_95 : memref<1x128xi32, #tpu.memory_space<vmem>> -> memref<128xi32, #tpu.memory_space<vmem>>
      %dma_start3A_97 = arith.constant 0 : i32
      %dma_start3A_98 = arith.constant 0 : i32
      %dma_start3A_99 = tpu.memref_slice %arg10[%dma_start3A_97, %dma_start3A_98] : memref<10112x128xf32, #tpu.memory_space<vmem_shared>> -> memref<10112x128xf32, #tpu.memory_space<vmem_shared>>
      tpu.enqueue_indirect_dma source(%arg9 : memref<128x128xf32, #tpu.memory_space<vmem>>) target(%dma_start3A_99 : memref<10112x128xf32, #tpu.memory_space<vmem_shared>>) offsets(%dma_start3A_96 : memref<128xi32, #tpu.memory_space<vmem>>) semaphore(%arg14 : memref<!tpu.dma_semaphore, #tpu.memory_space<semaphore_mem>>) {add = true}
      %dma_wait3A_100 = arith.constant 1 : i32
      %dma_wait3A_101 = arith.constant 0 : i32
      %dma_wait3A_102 = tpu.memref_slice %arg6[%dma_wait3A_100, %dma_wait3A_101] : memref<2x128xi32, #tpu.memory_space<vmem>> -> memref<1x128xi32, #tpu.memory_space<vmem>>
      %dma_wait3A_103 = tpu.memref_squeeze %dma_wait3A_102 : memref<1x128xi32, #tpu.memory_space<vmem>> -> memref<128xi32, #tpu.memory_space<vmem>>
      %dma_wait3A_104 = arith.constant 0 : i32
      %dma_wait3A_105 = arith.constant 0 : i32
      %dma_wait3A_106 = tpu.memref_slice %arg10[%dma_wait3A_104, %dma_wait3A_105] : memref<10112x128xf32, #tpu.memory_space<vmem_shared>> -> memref<10112x128xf32, #tpu.memory_space<vmem_shared>>
      tpu.wait_indirect_dma semaphore(%arg13 : memref<!tpu.dma_semaphore, #tpu.memory_space<semaphore_mem>>) src(%arg8 : memref<128x128xf32, #tpu.memory_space<vmem>>) dst(%dma_wait3A_106 : memref<10112x128xf32, #tpu.memory_space<vmem_shared>>)
      %add3A_107 = arith.constant 1 : i32
      %add3A_108 = arith.addi %while3A_57, %add3A_107 : i32
      %lt3A = arith.cmpi slt, %add3A_108, %select_n3A_30 : i32
      %convert_element_type3A_109 = arith.extui %lt3A : i1 to i32
      %cond3A_110 = arith.constant 0 : i32
      %cond3A_111 = arith.cmpi ne, %convert_element_type3A_109, %cond3A_110 : i32
      scf.if %cond3A_111 {
        %add3A_112 = arith.constant 2 : i32
        %add3A_113 = arith.addi %add3A_60, %add3A_112 : i32
        "tpu.region"() ({
          %run_scoped3A = tpu.sem_alloc : memref<!tpu.dma_semaphore, #tpu.memory_space<semaphore_mem>>
          %dma_start3A_121 = arith.constant 0 : i32
          %dma_start3A_122 = arith.constant 0 : i32
          %dma_start3A_123 = tpu.memref_slice %arg3[%add3A_113, %dma_start3A_121, %dma_start3A_122] : memref<2528x2x128xi32, #tpu.memory_space<hbm>> -> memref<1x2x128xi32, #tpu.memory_space<hbm>>
          %dma_start3A_124 = tpu.memref_squeeze %dma_start3A_123 : memref<1x2x128xi32, #tpu.memory_space<hbm>> -> memref<2x128xi32, #tpu.memory_space<hbm>>
          %dma_start3A_125 = arith.constant 0 : i32
          %dma_start3A_126 = arith.constant 0 : i32
          %dma_start3A_127 = tpu.memref_slice %arg3[%add3A_113, %dma_start3A_125, %dma_start3A_126] : memref<2528x2x128xi32, #tpu.memory_space<hbm>> -> memref<1x2x128xi32, #tpu.memory_space<hbm>>
          %dma_start3A_128 = tpu.memref_squeeze %dma_start3A_127 : memref<1x2x128xi32, #tpu.memory_space<hbm>> -> memref<2x128xi32, #tpu.memory_space<hbm>>
          tpu.enqueue_dma source(%dma_start3A_128 : memref<2x128xi32, #tpu.memory_space<hbm>>) target(%arg6 : memref<2x128xi32, #tpu.memory_space<vmem>>) target_semaphore(%run_scoped3A : memref<!tpu.dma_semaphore, #tpu.memory_space<semaphore_mem>>)
          %dma_wait3A_129 = arith.constant 0 : i32
          %dma_wait3A_130 = arith.constant 0 : i32
          %dma_wait3A_131 = tpu.memref_slice %arg3[%add3A_113, %dma_wait3A_129, %dma_wait3A_130] : memref<2528x2x128xi32, #tpu.memory_space<hbm>> -> memref<1x2x128xi32, #tpu.memory_space<hbm>>
          %dma_wait3A_132 = tpu.memref_squeeze %dma_wait3A_131 : memref<1x2x128xi32, #tpu.memory_space<hbm>> -> memref<2x128xi32, #tpu.memory_space<hbm>>
          %dma_wait3A_133 = arith.constant 0 : i32
          %dma_wait3A_134 = arith.constant 0 : i32
          %dma_wait3A_135 = tpu.memref_slice %arg3[%add3A_113, %dma_wait3A_133, %dma_wait3A_134] : memref<2528x2x128xi32, #tpu.memory_space<hbm>> -> memref<1x2x128xi32, #tpu.memory_space<hbm>>
          %dma_wait3A_136 = tpu.memref_squeeze %dma_wait3A_135 : memref<1x2x128xi32, #tpu.memory_space<hbm>> -> memref<2x128xi32, #tpu.memory_space<hbm>>
          tpu.wait_dma2 semaphore(%run_scoped3A : memref<!tpu.dma_semaphore, #tpu.memory_space<semaphore_mem>>) src(%dma_wait3A_136 : memref<2x128xi32, #tpu.memory_space<hbm>>) dst(%arg6 : memref<2x128xi32, #tpu.memory_space<vmem>>)
          tpu.yield
        }) : () -> ()
        %dma_start3A_114 = arith.constant 0 : i32
        %dma_start3A_115 = arith.constant 0 : i32
        %dma_start3A_116 = tpu.memref_slice %arg6[%dma_start3A_114, %dma_start3A_115] : memref<2x128xi32, #tpu.memory_space<vmem>> -> memref<1x128xi32, #tpu.memory_space<vmem>>
        %dma_start3A_117 = tpu.memref_squeeze %dma_start3A_116 : memref<1x128xi32, #tpu.memory_space<vmem>> -> memref<128xi32, #tpu.memory_space<vmem>>
        %dma_start3A_118 = arith.constant 0 : i32
        %dma_start3A_119 = arith.constant 0 : i32
        %dma_start3A_120 = tpu.memref_slice %arg2[%dma_start3A_118, %dma_start3A_119] : memref<10000x128xf32, #tpu.memory_space<hbm>> -> memref<10000x128xf32, #tpu.memory_space<hbm>>
        tpu.enqueue_indirect_dma source(%dma_start3A_120 : memref<10000x128xf32, #tpu.memory_space<hbm>>) target(%arg8 : memref<128x128xf32, #tpu.memory_space<vmem>>) offsets(%dma_start3A_117 : memref<128xi32, #tpu.memory_space<vmem>>) semaphore(%arg11 : memref<!tpu.dma_semaphore, #tpu.memory_space<semaphore_mem>>)
      } else {
      }
    }
    %dma_wait3A = arith.constant 1 : i32
    %dma_wait3A_46 = arith.constant 0 : i32
    %dma_wait3A_47 = tpu.memref_slice %arg7[%dma_wait3A, %dma_wait3A_46] : memref<2x128xi32, #tpu.memory_space<vmem>> -> memref<1x128xi32, #tpu.memory_space<vmem>>
    %dma_wait3A_48 = tpu.memref_squeeze %dma_wait3A_47 : memref<1x128xi32, #tpu.memory_space<vmem>> -> memref<128xi32, #tpu.memory_space<vmem>>
    %dma_wait3A_49 = arith.constant 0 : i32
    %dma_wait3A_50 = arith.constant 0 : i32
    %dma_wait3A_51 = tpu.memref_slice %arg10[%dma_wait3A_49, %dma_wait3A_50] : memref<10112x128xf32, #tpu.memory_space<vmem_shared>> -> memref<10112x128xf32, #tpu.memory_space<vmem_shared>>
    tpu.wait_indirect_dma semaphore(%arg14 : memref<!tpu.dma_semaphore, #tpu.memory_space<semaphore_mem>>) src(%arg9 : memref<128x128xf32, #tpu.memory_space<vmem>>) dst(%dma_wait3A_51 : memref<10112x128xf32, #tpu.memory_space<vmem_shared>>)
    %barrier3A_52 = arith.constant 0 : index
    tpu.barrier barrier_id(%barrier3A_52)
    %mul3A_53 = arith.constant 632 : i32
    %mul3A_54 = arith.muli %arg1, %mul3A_53 : i32
    %mul3A_55 = arith.constant 632 : i32
    %mul3A_56 = arith.muli %arg1, %mul3A_55 : i32
    "tpu.region"() ({
      %run_scoped3A = tpu.sem_alloc : memref<!tpu.dma_semaphore, #tpu.memory_space<semaphore_mem>>
      %dma_start3A_57 = arith.constant 0 : i32
      %dma_start3A_58 = tpu.memref_slice %arg5[%arg0, %mul3A_56, %dma_start3A_57] : memref<2x10112x128xf32, #tpu.memory_space<hbm>> -> memref<1x632x128xf32, #tpu.memory_space<hbm>>
      %dma_start3A_59 = tpu.memref_squeeze %dma_start3A_58 : memref<1x632x128xf32, #tpu.memory_space<hbm>> -> memref<632x128xf32, #tpu.memory_space<hbm>>
      %dma_start3A_60 = arith.constant 0 : i32
      %dma_start3A_61 = tpu.memref_slice %arg10[%mul3A_54, %dma_start3A_60] : memref<10112x128xf32, #tpu.memory_space<vmem_shared>> -> memref<632x128xf32, #tpu.memory_space<vmem_shared>>
      tpu.enqueue_dma source(%dma_start3A_61 : memref<632x128xf32, #tpu.memory_space<vmem_shared>>) target(%dma_start3A_59 : memref<632x128xf32, #tpu.memory_space<hbm>>) target_semaphore(%run_scoped3A : memref<!tpu.dma_semaphore, #tpu.memory_space<semaphore_mem>>)
      %dma_wait3A_62 = arith.constant 0 : i32
      %dma_wait3A_63 = tpu.memref_slice %arg5[%arg0, %mul3A_56, %dma_wait3A_62] : memref<2x10112x128xf32, #tpu.memory_space<hbm>> -> memref<1x632x128xf32, #tpu.memory_space<hbm>>
      %dma_wait3A_64 = tpu.memref_squeeze %dma_wait3A_63 : memref<1x632x128xf32, #tpu.memory_space<hbm>> -> memref<632x128xf32, #tpu.memory_space<hbm>>
      %dma_wait3A_65 = arith.constant 0 : i32
      %dma_wait3A_66 = tpu.memref_slice %arg10[%mul3A_54, %dma_wait3A_65] : memref<10112x128xf32, #tpu.memory_space<vmem_shared>> -> memref<632x128xf32, #tpu.memory_space<vmem_shared>>
      tpu.wait_dma2 semaphore(%run_scoped3A : memref<!tpu.dma_semaphore, #tpu.memory_space<semaphore_mem>>) src(%dma_wait3A_66 : memref<632x128xf32, #tpu.memory_space<vmem_shared>>) dst(%dma_wait3A_64 : memref<632x128xf32, #tpu.memory_space<hbm>>)
      tpu.yield
    }) : () -> ()
    return
  }
}

#map = affine_map<(d0, d1) -> (0, 0)>
#map1 = affine_map<(d0, d1) -> (0, 0, 0)>
module attributes {stable_mosaic.version = 14 : i64} {
  func.func @body(%arg0: i32, %arg1: i32, %arg2: memref<10000x128xf32, #tpu.memory_space<hbm>>, %arg3: memref<2528x2x128xi32, #tpu.memory_space<hbm>>, %arg4: memref<10112x128xf32, #tpu.memory_space<hbm>>, %arg5: memref<2x10112x128xf32, #tpu.memory_space<hbm>>, %arg6: memref<2x128xi32, #tpu.memory_space<vmem>>, %arg7: memref<2x128xi32, #tpu.memory_space<vmem>>, %arg8: memref<128x128xf32, #tpu.memory_space<vmem>>, %arg9: memref<128x128xf32, #tpu.memory_space<vmem>>, %arg10: memref<10112x128xf32, #tpu.memory_space<vmem_shared>>, %arg11: memref<!tpu.dma_semaphore, #tpu.memory_space<semaphore_mem>>, %arg12: memref<!tpu.dma_semaphore, #tpu.memory_space<semaphore_mem>>, %arg13: memref<!tpu.dma_semaphore, #tpu.memory_space<semaphore_mem>>, %arg14: memref<!tpu.dma_semaphore, #tpu.memory_space<semaphore_mem>>) attributes {dimension_semantics = [#tpu.dimension_semantics<core_parallel>, #tpu.dimension_semantics<subcore_parallel>], iteration_bounds = array<i64: 2, 16>, scalar_prefetch = 0 : i64, scratch_operands = 9 : i64, tpu.core_type = #tpu.core_type<sc_vector_subcore>, window_params = [{transform_indices = #map}, {transform_indices = #map1}, {transform_indices = #map}, {transform_indices = #map1}]} {
    %mul3A = arith.constant 632 : i32
    %mul3A_0 = arith.muli %arg1, %mul3A : i32
    %mul3A_1 = arith.constant 632 : i32
    %mul3A_2 = arith.muli %arg1, %mul3A_1 : i32
    "tpu.region"() ({
      %run_scoped3A = tpu.sem_alloc : memref<!tpu.dma_semaphore, #tpu.memory_space<semaphore_mem>>
      %dma_start3A_57 = arith.constant 0 : i32
      %dma_start3A_58 = tpu.memref_slice %arg10[%mul3A_2, %dma_start3A_57] : memref<10112x128xf32, #tpu.memory_space<vmem_shared>> -> memref<632x128xf32, #tpu.memory_space<vmem_shared>>
      %dma_start3A_59 = arith.constant 0 : i32
      %dma_start3A_60 = tpu.memref_slice %arg4[%mul3A_0, %dma_start3A_59] : memref<10112x128xf32, #tpu.memory_space<hbm>> -> memref<632x128xf32, #tpu.memory_space<hbm>>
      tpu.enqueue_dma source(%dma_start3A_60 : memref<632x128xf32, #tpu.memory_space<hbm>>) target(%dma_start3A_58 : memref<632x128xf32, #tpu.memory_space<vmem_shared>>) target_semaphore(%run_scoped3A : memref<!tpu.dma_semaphore, #tpu.memory_space<semaphore_mem>>)
      %dma_wait3A_61 = arith.constant 0 : i32
      %dma_wait3A_62 = tpu.memref_slice %arg10[%mul3A_2, %dma_wait3A_61] : memref<10112x128xf32, #tpu.memory_space<vmem_shared>> -> memref<632x128xf32, #tpu.memory_space<vmem_shared>>
      %dma_wait3A_63 = arith.constant 0 : i32
      %dma_wait3A_64 = tpu.memref_slice %arg4[%mul3A_0, %dma_wait3A_63] : memref<10112x128xf32, #tpu.memory_space<hbm>> -> memref<632x128xf32, #tpu.memory_space<hbm>>
      tpu.wait_dma2 semaphore(%run_scoped3A : memref<!tpu.dma_semaphore, #tpu.memory_space<semaphore_mem>>) src(%dma_wait3A_64 : memref<632x128xf32, #tpu.memory_space<hbm>>) dst(%dma_wait3A_62 : memref<632x128xf32, #tpu.memory_space<vmem_shared>>)
      tpu.yield
    }) : () -> ()
    %barrier3A = arith.constant 0 : index
    tpu.barrier barrier_id(%barrier3A)
    %eq3A = arith.constant 0 : i32
    %eq3A_3 = arith.cmpi eq, %arg0, %eq3A : i32
    %mul3A_4 = arith.constant 106 : i32
    %mul3A_5 = arith.muli %arg1, %mul3A_4 : i32
    %mul3A_6 = arith.constant 52 : i32
    %mul3A_7 = arith.muli %arg1, %mul3A_6 : i32
    %add3A = arith.constant 1696 : i32
    %add3A_8 = arith.addi %add3A, %mul3A_7 : i32
    %select_n3A = arith.select %eq3A_3, %mul3A_5, %add3A_8 : i32
    %eq3A_9 = arith.constant 0 : i32
    %eq3A_10 = arith.cmpi eq, %arg0, %eq3A_9 : i32
    %jit3A = arith.constant 106 : i32
    %jit3A_11 = arith.constant 52 : i32
    %select_n3A_12 = arith.select %eq3A_10, %jit3A, %jit3A_11 : i32
    %jit3A_13 = arith.constant 2 : i32
    %div3A = arith.divsi %select_n3A_12, %jit3A_13 : i32
    %sign3A = arith.constant 0 : i32
    %sign3A_14 = arith.cmpi sgt, %select_n3A_12, %sign3A : i32
    %sign3A_15 = arith.extui %sign3A_14 : i1 to i32
    %sign3A_16 = arith.constant 0 : i32
    %sign3A_17 = arith.cmpi slt, %select_n3A_12, %sign3A_16 : i32
    %sign3A_18 = arith.extui %sign3A_17 : i1 to i32
    %sign3A_19 = arith.subi %sign3A_15, %sign3A_18 : i32
    %sign3A_20 = arith.constant 0 : i32
    %sign3A_21 = arith.cmpi sgt, %jit3A_13, %sign3A_20 : i32
    %sign3A_22 = arith.extui %sign3A_21 : i1 to i32
    %sign3A_23 = arith.constant 0 : i32
    %sign3A_24 = arith.cmpi slt, %jit3A_13, %sign3A_23 : i32
    %sign3A_25 = arith.extui %sign3A_24 : i1 to i32
    %sign3A_26 = arith.subi %sign3A_22, %sign3A_25 : i32
    %ne3A = arith.cmpi ne, %sign3A_19, %sign3A_26 : i32
    %rem3A = arith.remsi %select_n3A_12, %jit3A_13 : i32
    %ne3A_27 = arith.constant 0 : i32
    %ne3A_28 = arith.cmpi ne, %rem3A, %ne3A_27 : i32
    %and3A = arith.andi %ne3A, %ne3A_28 : i1
    %sub3A = arith.constant 1 : i32
    %sub3A_29 = arith.subi %div3A, %sub3A : i32
    %select_n3A_30 = arith.select %and3A, %sub3A_29, %div3A : i32
    "tpu.region"() ({
      %run_scoped3A = tpu.sem_alloc : memref<!tpu.dma_semaphore, #tpu.memory_space<semaphore_mem>>
      %dma_start3A_57 = arith.constant 0 : i32
      %dma_start3A_58 = arith.constant 0 : i32
      %dma_start3A_59 = tpu.memref_slice %arg3[%select_n3A, %dma_start3A_57, %dma_start3A_58] : memref<2528x2x128xi32, #tpu.memory_space<hbm>> -> memref<1x2x128xi32, #tpu.memory_space<hbm>>
      %dma_start3A_60 = tpu.memref_squeeze %dma_start3A_59 : memref<1x2x128xi32, #tpu.memory_space<hbm>> -> memref<2x128xi32, #tpu.memory_space<hbm>>
      %dma_start3A_61 = arith.constant 0 : i32
      %dma_start3A_62 = arith.constant 0 : i32
      %dma_start3A_63 = tpu.memref_slice %arg3[%select_n3A, %dma_start3A_61, %dma_start3A_62] : memref<2528x2x128xi32, #tpu.memory_space<hbm>> -> memref<1x2x128xi32, #tpu.memory_space<hbm>>
      %dma_start3A_64 = tpu.memref_squeeze %dma_start3A_63 : memref<1x2x128xi32, #tpu.memory_space<hbm>> -> memref<2x128xi32, #tpu.memory_space<hbm>>
      tpu.enqueue_dma source(%dma_start3A_64 : memref<2x128xi32, #tpu.memory_space<hbm>>) target(%arg6 : memref<2x128xi32, #tpu.memory_space<vmem>>) target_semaphore(%run_scoped3A : memref<!tpu.dma_semaphore, #tpu.memory_space<semaphore_mem>>)
      %dma_wait3A_65 = arith.constant 0 : i32
      %dma_wait3A_66 = arith.constant 0 : i32
      %dma_wait3A_67 = tpu.memref_slice %arg3[%select_n3A, %dma_wait3A_65, %dma_wait3A_66] : memref<2528x2x128xi32, #tpu.memory_space<hbm>> -> memref<1x2x128xi32, #tpu.memory_space<hbm>>
      %dma_wait3A_68 = tpu.memref_squeeze %dma_wait3A_67 : memref<1x2x128xi32, #tpu.memory_space<hbm>> -> memref<2x128xi32, #tpu.memory_space<hbm>>
      %dma_wait3A_69 = arith.constant 0 : i32
      %dma_wait3A_70 = arith.constant 0 : i32
      %dma_wait3A_71 = tpu.memref_slice %arg3[%select_n3A, %dma_wait3A_69, %dma_wait3A_70] : memref<2528x2x128xi32, #tpu.memory_space<hbm>> -> memref<1x2x128xi32, #tpu.memory_space<hbm>>
      %dma_wait3A_72 = tpu.memref_squeeze %dma_wait3A_71 : memref<1x2x128xi32, #tpu.memory_space<hbm>> -> memref<2x128xi32, #tpu.memory_space<hbm>>
      tpu.wait_dma2 semaphore(%run_scoped3A : memref<!tpu.dma_semaphore, #tpu.memory_space<semaphore_mem>>) src(%dma_wait3A_72 : memref<2x128xi32, #tpu.memory_space<hbm>>) dst(%arg6 : memref<2x128xi32, #tpu.memory_space<vmem>>)
      tpu.yield
    }) : () -> ()
    %dma_start3A = arith.constant 0 : i32
    %dma_start3A_31 = arith.constant 0 : i32
    %dma_start3A_32 = tpu.memref_slice %arg6[%dma_start3A, %dma_start3A_31] : memref<2x128xi32, #tpu.memory_space<vmem>> -> memref<1x128xi32, #tpu.memory_space<vmem>>
    %dma_start3A_33 = tpu.memref_squeeze %dma_start3A_32 : memref<1x128xi32, #tpu.memory_space<vmem>> -> memref<128xi32, #tpu.memory_space<vmem>>
    %dma_start3A_34 = arith.constant 0 : i32
    %dma_start3A_35 = arith.constant 0 : i32
    %dma_start3A_36 = tpu.memref_slice %arg2[%dma_start3A_34, %dma_start3A_35] : memref<10000x128xf32, #tpu.memory_space<hbm>> -> memref<10000x128xf32, #tpu.memory_space<hbm>>
    tpu.enqueue_indirect_dma source(%dma_start3A_36 : memref<10000x128xf32, #tpu.memory_space<hbm>>) target(%arg8 : memref<128x128xf32, #tpu.memory_space<vmem>>) offsets(%dma_start3A_33 : memref<128xi32, #tpu.memory_space<vmem>>) semaphore(%arg11 : memref<!tpu.dma_semaphore, #tpu.memory_space<semaphore_mem>>)
    %while3A = arith.constant 0 : i32
    %while3A_37 = arith.constant 0 : i32
    %while3A_38 = arith.subi %select_n3A_30, %while3A_37 : i32
    %while3A_39 = arith.addi %while3A_37, %while3A_38 : i32
    %while3A_40 = arith.constant 1 : i32
    %while3A_41 = arith.divsi %while3A_38, %while3A_40 : i32
    %while3A_42 = arith.muli %while3A_41, %while3A_40 : i32
    %while3A_43 = arith.addi %while3A_37, %while3A_42 : i32
    %while3A_44 = arith.constant 1 : i32
    scf.for %while3A_57 = %while3A_37 to %while3A_43 step %while3A_44  : i32 {
      %mul3A_58 = arith.constant 2 : i32
      %mul3A_59 = arith.muli %mul3A_58, %while3A_57 : i32
      %add3A_60 = arith.addi %select_n3A, %mul3A_59 : i32
      %dma_wait3A_61 = arith.constant 0 : i32
      %dma_wait3A_62 = arith.constant 0 : i32
      %dma_wait3A_63 = tpu.memref_slice %arg6[%dma_wait3A_61, %dma_wait3A_62] : memref<2x128xi32, #tpu.memory_space<vmem>> -> memref<1x128xi32, #tpu.memory_space<vmem>>
      %dma_wait3A_64 = tpu.memref_squeeze %dma_wait3A_63 : memref<1x128xi32, #tpu.memory_space<vmem>> -> memref<128xi32, #tpu.memory_space<vmem>>
      %dma_wait3A_65 = arith.constant 0 : i32
      %dma_wait3A_66 = arith.constant 0 : i32
      %dma_wait3A_67 = tpu.memref_slice %arg2[%dma_wait3A_65, %dma_wait3A_66] : memref<10000x128xf32, #tpu.memory_space<hbm>> -> memref<10000x128xf32, #tpu.memory_space<hbm>>
      tpu.wait_indirect_dma semaphore(%arg11 : memref<!tpu.dma_semaphore, #tpu.memory_space<semaphore_mem>>) src(%dma_wait3A_67 : memref<10000x128xf32, #tpu.memory_space<hbm>>) dst(%arg8 : memref<128x128xf32, #tpu.memory_space<vmem>>)
      %dma_start3A_68 = arith.constant 1 : i32
      %dma_start3A_69 = arith.constant 0 : i32
      %dma_start3A_70 = tpu.memref_slice %arg6[%dma_start3A_68, %dma_start3A_69] : memref<2x128xi32, #tpu.memory_space<vmem>> -> memref<1x128xi32, #tpu.memory_space<vmem>>
      %dma_start3A_71 = tpu.memref_squeeze %dma_start3A_70 : memref<1x128xi32, #tpu.memory_space<vmem>> -> memref<128xi32, #tpu.memory_space<vmem>>
      %dma_start3A_72 = arith.constant 0 : i32
      %dma_start3A_73 = arith.constant 0 : i32
      %dma_start3A_74 = tpu.memref_slice %arg10[%dma_start3A_72, %dma_start3A_73] : memref<10112x128xf32, #tpu.memory_space<vmem_shared>> -> memref<10112x128xf32, #tpu.memory_space<vmem_shared>>
      tpu.enqueue_indirect_dma source(%arg8 : memref<128x128xf32, #tpu.memory_space<vmem>>) target(%dma_start3A_74 : memref<10112x128xf32, #tpu.memory_space<vmem_shared>>) offsets(%dma_start3A_71 : memref<128xi32, #tpu.memory_space<vmem>>) semaphore(%arg13 : memref<!tpu.dma_semaphore, #tpu.memory_space<semaphore_mem>>) {add = true}
      %gt3A = arith.constant 0 : i32
      %gt3A_75 = arith.cmpi sgt, %while3A_57, %gt3A : i32
      %convert_element_type3A = arith.extui %gt3A_75 : i1 to i32
      %cond3A = arith.constant 0 : i32
      %cond3A_76 = arith.cmpi ne, %convert_element_type3A, %cond3A : i32
      scf.if %cond3A_76 {
        %dma_wait3A_112 = arith.constant 1 : i32
        %dma_wait3A_113 = arith.constant 0 : i32
        %dma_wait3A_114 = tpu.memref_slice %arg7[%dma_wait3A_112, %dma_wait3A_113] : memref<2x128xi32, #tpu.memory_space<vmem>> -> memref<1x128xi32, #tpu.memory_space<vmem>>
        %dma_wait3A_115 = tpu.memref_squeeze %dma_wait3A_114 : memref<1x128xi32, #tpu.memory_space<vmem>> -> memref<128xi32, #tpu.memory_space<vmem>>
        %dma_wait3A_116 = arith.constant 0 : i32
        %dma_wait3A_117 = arith.constant 0 : i32
        %dma_wait3A_118 = tpu.memref_slice %arg10[%dma_wait3A_116, %dma_wait3A_117] : memref<10112x128xf32, #tpu.memory_space<vmem_shared>> -> memref<10112x128xf32, #tpu.memory_space<vmem_shared>>
        tpu.wait_indirect_dma semaphore(%arg14 : memref<!tpu.dma_semaphore, #tpu.memory_space<semaphore_mem>>) src(%arg9 : memref<128x128xf32, #tpu.memory_space<vmem>>) dst(%dma_wait3A_118 : memref<10112x128xf32, #tpu.memory_space<vmem_shared>>)
      } else {
      }
      %add3A_77 = arith.constant 1 : i32
      %add3A_78 = arith.addi %add3A_60, %add3A_77 : i32
      "tpu.region"() ({
        %run_scoped3A = tpu.sem_alloc : memref<!tpu.dma_semaphore, #tpu.memory_space<semaphore_mem>>
        %dma_start3A_112 = arith.constant 0 : i32
        %dma_start3A_113 = arith.constant 0 : i32
        %dma_start3A_114 = tpu.memref_slice %arg3[%add3A_78, %dma_start3A_112, %dma_start3A_113] : memref<2528x2x128xi32, #tpu.memory_space<hbm>> -> memref<1x2x128xi32, #tpu.memory_space<hbm>>
        %dma_start3A_115 = tpu.memref_squeeze %dma_start3A_114 : memref<1x2x128xi32, #tpu.memory_space<hbm>> -> memref<2x128xi32, #tpu.memory_space<hbm>>
        %dma_start3A_116 = arith.constant 0 : i32
        %dma_start3A_117 = arith.constant 0 : i32
        %dma_start3A_118 = tpu.memref_slice %arg3[%add3A_78, %dma_start3A_116, %dma_start3A_117] : memref<2528x2x128xi32, #tpu.memory_space<hbm>> -> memref<1x2x128xi32, #tpu.memory_space<hbm>>
        %dma_start3A_119 = tpu.memref_squeeze %dma_start3A_118 : memref<1x2x128xi32, #tpu.memory_space<hbm>> -> memref<2x128xi32, #tpu.memory_space<hbm>>
        tpu.enqueue_dma source(%dma_start3A_119 : memref<2x128xi32, #tpu.memory_space<hbm>>) target(%arg7 : memref<2x128xi32, #tpu.memory_space<vmem>>) target_semaphore(%run_scoped3A : memref<!tpu.dma_semaphore, #tpu.memory_space<semaphore_mem>>)
        %dma_wait3A_120 = arith.constant 0 : i32
        %dma_wait3A_121 = arith.constant 0 : i32
        %dma_wait3A_122 = tpu.memref_slice %arg3[%add3A_78, %dma_wait3A_120, %dma_wait3A_121] : memref<2528x2x128xi32, #tpu.memory_space<hbm>> -> memref<1x2x128xi32, #tpu.memory_space<hbm>>
        %dma_wait3A_123 = tpu.memref_squeeze %dma_wait3A_122 : memref<1x2x128xi32, #tpu.memory_space<hbm>> -> memref<2x128xi32, #tpu.memory_space<hbm>>
        %dma_wait3A_124 = arith.constant 0 : i32
        %dma_wait3A_125 = arith.constant 0 : i32
        %dma_wait3A_126 = tpu.memref_slice %arg3[%add3A_78, %dma_wait3A_124, %dma_wait3A_125] : memref<2528x2x128xi32, #tpu.memory_space<hbm>> -> memref<1x2x128xi32, #tpu.memory_space<hbm>>
        %dma_wait3A_127 = tpu.memref_squeeze %dma_wait3A_126 : memref<1x2x128xi32, #tpu.memory_space<hbm>> -> memref<2x128xi32, #tpu.memory_space<hbm>>
        tpu.wait_dma2 semaphore(%run_scoped3A : memref<!tpu.dma_semaphore, #tpu.memory_space<semaphore_mem>>) src(%dma_wait3A_127 : memref<2x128xi32, #tpu.memory_space<hbm>>) dst(%arg7 : memref<2x128xi32, #tpu.memory_space<vmem>>)
        tpu.yield
      }) : () -> ()
      %dma_start3A_79 = arith.constant 0 : i32
      %dma_start3A_80 = arith.constant 0 : i32
      %dma_start3A_81 = tpu.memref_slice %arg7[%dma_start3A_79, %dma_start3A_80] : memref<2x128xi32, #tpu.memory_space<vmem>> -> memref<1x128xi32, #tpu.memory_space<vmem>>
      %dma_start3A_82 = tpu.memref_squeeze %dma_start3A_81 : memref<1x128xi32, #tpu.memory_space<vmem>> -> memref<128xi32, #tpu.memory_space<vmem>>
      %dma_start3A_83 = arith.constant 0 : i32
      %dma_start3A_84 = arith.constant 0 : i32
      %dma_start3A_85 = tpu.memref_slice %arg2[%dma_start3A_83, %dma_start3A_84] : memref<10000x128xf32, #tpu.memory_space<hbm>> -> memref<10000x128xf32, #tpu.memory_space<hbm>>
      tpu.enqueue_indirect_dma source(%dma_start3A_85 : memref<10000x128xf32, #tpu.memory_space<hbm>>) target(%arg9 : memref<128x128xf32, #tpu.memory_space<vmem>>) offsets(%dma_start3A_82 : memref<128xi32, #tpu.memory_space<vmem>>) semaphore(%arg12 : memref<!tpu.dma_semaphore, #tpu.memory_space<semaphore_mem>>)
      %dma_wait3A_86 = arith.constant 0 : i32
      %dma_wait3A_87 = arith.constant 0 : i32
      %dma_wait3A_88 = tpu.memref_slice %arg7[%dma_wait3A_86, %dma_wait3A_87] : memref<2x128xi32, #tpu.memory_space<vmem>> -> memref<1x128xi32, #tpu.memory_space<vmem>>
      %dma_wait3A_89 = tpu.memref_squeeze %dma_wait3A_88 : memref<1x128xi32, #tpu.memory_space<vmem>> -> memref<128xi32, #tpu.memory_space<vmem>>
      %dma_wait3A_90 = arith.constant 0 : i32
      %dma_wait3A_91 = arith.constant 0 : i32
      %dma_wait3A_92 = tpu.memref_slice %arg2[%dma_wait3A_90, %dma_wait3A_91] : memref<10000x128xf32, #tpu.memory_space<hbm>> -> memref<10000x128xf32, #tpu.memory_space<hbm>>
      tpu.wait_indirect_dma semaphore(%arg12 : memref<!tpu.dma_semaphore, #tpu.memory_space<semaphore_mem>>) src(%dma_wait3A_92 : memref<10000x128xf32, #tpu.memory_space<hbm>>) dst(%arg9 : memref<128x128xf32, #tpu.memory_space<vmem>>)
      %dma_start3A_93 = arith.constant 1 : i32
      %dma_start3A_94 = arith.constant 0 : i32
      %dma_start3A_95 = tpu.memref_slice %arg7[%dma_start3A_93, %dma_start3A_94] : memref<2x128xi32, #tpu.memory_space<vmem>> -> memref<1x128xi32, #tpu.memory_space<vmem>>
      %dma_start3A_96 = tpu.memref_squeeze %dma_start3A_95 : memref<1x128xi32, #tpu.memory_space<vmem>> -> memref<128xi32, #tpu.memory_space<vmem>>
      %dma_start3A_97 = arith.constant 0 : i32
      %dma_start3A_98 = arith.constant 0 : i32
      %dma_start3A_99 = tpu.memref_slice %arg10[%dma_start3A_97, %dma_start3A_98] : memref<10112x128xf32, #tpu.memory_space<vmem_shared>> -> memref<10112x128xf32, #tpu.memory_space<vmem_shared>>
      tpu.enqueue_indirect_dma source(%arg9 : memref<128x128xf32, #tpu.memory_space<vmem>>) target(%dma_start3A_99 : memref<10112x128xf32, #tpu.memory_space<vmem_shared>>) offsets(%dma_start3A_96 : memref<128xi32, #tpu.memory_space<vmem>>) semaphore(%arg14 : memref<!tpu.dma_semaphore, #tpu.memory_space<semaphore_mem>>) {add = true}
      %dma_wait3A_100 = arith.constant 1 : i32
      %dma_wait3A_101 = arith.constant 0 : i32
      %dma_wait3A_102 = tpu.memref_slice %arg6[%dma_wait3A_100, %dma_wait3A_101] : memref<2x128xi32, #tpu.memory_space<vmem>> -> memref<1x128xi32, #tpu.memory_space<vmem>>
      %dma_wait3A_103 = tpu.memref_squeeze %dma_wait3A_102 : memref<1x128xi32, #tpu.memory_space<vmem>> -> memref<128xi32, #tpu.memory_space<vmem>>
      %dma_wait3A_104 = arith.constant 0 : i32
      %dma_wait3A_105 = arith.constant 0 : i32
      %dma_wait3A_106 = tpu.memref_slice %arg10[%dma_wait3A_104, %dma_wait3A_105] : memref<10112x128xf32, #tpu.memory_space<vmem_shared>> -> memref<10112x128xf32, #tpu.memory_space<vmem_shared>>
      tpu.wait_indirect_dma semaphore(%arg13 : memref<!tpu.dma_semaphore, #tpu.memory_space<semaphore_mem>>) src(%arg8 : memref<128x128xf32, #tpu.memory_space<vmem>>) dst(%dma_wait3A_106 : memref<10112x128xf32, #tpu.memory_space<vmem_shared>>)
      %add3A_107 = arith.constant 1 : i32
      %add3A_108 = arith.addi %while3A_57, %add3A_107 : i32
      %lt3A = arith.cmpi slt, %add3A_108, %select_n3A_30 : i32
      %convert_element_type3A_109 = arith.extui %lt3A : i1 to i32
      %cond3A_110 = arith.constant 0 : i32
      %cond3A_111 = arith.cmpi ne, %convert_element_type3A_109, %cond3A_110 : i32
      scf.if %cond3A_111 {
        %add3A_112 = arith.constant 2 : i32
        %add3A_113 = arith.addi %add3A_60, %add3A_112 : i32
        "tpu.region"() ({
          %run_scoped3A = tpu.sem_alloc : memref<!tpu.dma_semaphore, #tpu.memory_space<semaphore_mem>>
          %dma_start3A_121 = arith.constant 0 : i32
          %dma_start3A_122 = arith.constant 0 : i32
          %dma_start3A_123 = tpu.memref_slice %arg3[%add3A_113, %dma_start3A_121, %dma_start3A_122] : memref<2528x2x128xi32, #tpu.memory_space<hbm>> -> memref<1x2x128xi32, #tpu.memory_space<hbm>>
          %dma_start3A_124 = tpu.memref_squeeze %dma_start3A_123 : memref<1x2x128xi32, #tpu.memory_space<hbm>> -> memref<2x128xi32, #tpu.memory_space<hbm>>
          %dma_start3A_125 = arith.constant 0 : i32
          %dma_start3A_126 = arith.constant 0 : i32
          %dma_start3A_127 = tpu.memref_slice %arg3[%add3A_113, %dma_start3A_125, %dma_start3A_126] : memref<2528x2x128xi32, #tpu.memory_space<hbm>> -> memref<1x2x128xi32, #tpu.memory_space<hbm>>
          %dma_start3A_128 = tpu.memref_squeeze %dma_start3A_127 : memref<1x2x128xi32, #tpu.memory_space<hbm>> -> memref<2x128xi32, #tpu.memory_space<hbm>>
          tpu.enqueue_dma source(%dma_start3A_128 : memref<2x128xi32, #tpu.memory_space<hbm>>) target(%arg6 : memref<2x128xi32, #tpu.memory_space<vmem>>) target_semaphore(%run_scoped3A : memref<!tpu.dma_semaphore, #tpu.memory_space<semaphore_mem>>)
          %dma_wait3A_129 = arith.constant 0 : i32
          %dma_wait3A_130 = arith.constant 0 : i32
          %dma_wait3A_131 = tpu.memref_slice %arg3[%add3A_113, %dma_wait3A_129, %dma_wait3A_130] : memref<2528x2x128xi32, #tpu.memory_space<hbm>> -> memref<1x2x128xi32, #tpu.memory_space<hbm>>
          %dma_wait3A_132 = tpu.memref_squeeze %dma_wait3A_131 : memref<1x2x128xi32, #tpu.memory_space<hbm>> -> memref<2x128xi32, #tpu.memory_space<hbm>>
          %dma_wait3A_133 = arith.constant 0 : i32
          %dma_wait3A_134 = arith.constant 0 : i32
          %dma_wait3A_135 = tpu.memref_slice %arg3[%add3A_113, %dma_wait3A_133, %dma_wait3A_134] : memref<2528x2x128xi32, #tpu.memory_space<hbm>> -> memref<1x2x128xi32, #tpu.memory_space<hbm>>
          %dma_wait3A_136 = tpu.memref_squeeze %dma_wait3A_135 : memref<1x2x128xi32, #tpu.memory_space<hbm>> -> memref<2x128xi32, #tpu.memory_space<hbm>>
          tpu.wait_dma2 semaphore(%run_scoped3A : memref<!tpu.dma_semaphore, #tpu.memory_space<semaphore_mem>>) src(%dma_wait3A_136 : memref<2x128xi32, #tpu.memory_space<hbm>>) dst(%arg6 : memref<2x128xi32, #tpu.memory_space<vmem>>)
          tpu.yield
        }) : () -> ()
        %dma_start3A_114 = arith.constant 0 : i32
        %dma_start3A_115 = arith.constant 0 : i32
        %dma_start3A_116 = tpu.memref_slice %arg6[%dma_start3A_114, %dma_start3A_115] : memref<2x128xi32, #tpu.memory_space<vmem>> -> memref<1x128xi32, #tpu.memory_space<vmem>>
        %dma_start3A_117 = tpu.memref_squeeze %dma_start3A_116 : memref<1x128xi32, #tpu.memory_space<vmem>> -> memref<128xi32, #tpu.memory_space<vmem>>
        %dma_start3A_118 = arith.constant 0 : i32
        %dma_start3A_119 = arith.constant 0 : i32
        %dma_start3A_120 = tpu.memref_slice %arg2[%dma_start3A_118, %dma_start3A_119] : memref<10000x128xf32, #tpu.memory_space<hbm>> -> memref<10000x128xf32, #tpu.memory_space<hbm>>
        tpu.enqueue_indirect_dma source(%dma_start3A_120 : memref<10000x128xf32, #tpu.memory_space<hbm>>) target(%arg8 : memref<128x128xf32, #tpu.memory_space<vmem>>) offsets(%dma_start3A_117 : memref<128xi32, #tpu.memory_space<vmem>>) semaphore(%arg11 : memref<!tpu.dma_semaphore, #tpu.memory_space<semaphore_mem>>)
      } else {
      }
    }
    %while3A_45 = arith.constant 1 : i32
    scf.for %while3A_57 = %while3A_43 to %while3A_39 step %while3A_45  : i32 {
      %mul3A_58 = arith.constant 2 : i32
      %mul3A_59 = arith.muli %mul3A_58, %while3A_57 : i32
      %add3A_60 = arith.addi %select_n3A, %mul3A_59 : i32
      %dma_wait3A_61 = arith.constant 0 : i32
      %dma_wait3A_62 = arith.constant 0 : i32
      %dma_wait3A_63 = tpu.memref_slice %arg6[%dma_wait3A_61, %dma_wait3A_62] : memref<2x128xi32, #tpu.memory_space<vmem>> -> memref<1x128xi32, #tpu.memory_space<vmem>>
      %dma_wait3A_64 = tpu.memref_squeeze %dma_wait3A_63 : memref<1x128xi32, #tpu.memory_space<vmem>> -> memref<128xi32, #tpu.memory_space<vmem>>
      %dma_wait3A_65 = arith.constant 0 : i32
      %dma_wait3A_66 = arith.constant 0 : i32
      %dma_wait3A_67 = tpu.memref_slice %arg2[%dma_wait3A_65, %dma_wait3A_66] : memref<10000x128xf32, #tpu.memory_space<hbm>> -> memref<10000x128xf32, #tpu.memory_space<hbm>>
      tpu.wait_indirect_dma semaphore(%arg11 : memref<!tpu.dma_semaphore, #tpu.memory_space<semaphore_mem>>) src(%dma_wait3A_67 : memref<10000x128xf32, #tpu.memory_space<hbm>>) dst(%arg8 : memref<128x128xf32, #tpu.memory_space<vmem>>)
      %dma_start3A_68 = arith.constant 1 : i32
      %dma_start3A_69 = arith.constant 0 : i32
      %dma_start3A_70 = tpu.memref_slice %arg6[%dma_start3A_68, %dma_start3A_69] : memref<2x128xi32, #tpu.memory_space<vmem>> -> memref<1x128xi32, #tpu.memory_space<vmem>>
      %dma_start3A_71 = tpu.memref_squeeze %dma_start3A_70 : memref<1x128xi32, #tpu.memory_space<vmem>> -> memref<128xi32, #tpu.memory_space<vmem>>
      %dma_start3A_72 = arith.constant 0 : i32
      %dma_start3A_73 = arith.constant 0 : i32
      %dma_start3A_74 = tpu.memref_slice %arg10[%dma_start3A_72, %dma_start3A_73] : memref<10112x128xf32, #tpu.memory_space<vmem_shared>> -> memref<10112x128xf32, #tpu.memory_space<vmem_shared>>
      tpu.enqueue_indirect_dma source(%arg8 : memref<128x128xf32, #tpu.memory_space<vmem>>) target(%dma_start3A_74 : memref<10112x128xf32, #tpu.memory_space<vmem_shared>>) offsets(%dma_start3A_71 : memref<128xi32, #tpu.memory_space<vmem>>) semaphore(%arg13 : memref<!tpu.dma_semaphore, #tpu.memory_space<semaphore_mem>>) {add = true}
      %gt3A = arith.constant 0 : i32
      %gt3A_75 = arith.cmpi sgt, %while3A_57, %gt3A : i32
      %convert_element_type3A = arith.extui %gt3A_75 : i1 to i32
      %cond3A = arith.constant 0 : i32
      %cond3A_76 = arith.cmpi ne, %convert_element_type3A, %cond3A : i32
      scf.if %cond3A_76 {
        %dma_wait3A_112 = arith.constant 1 : i32
        %dma_wait3A_113 = arith.constant 0 : i32
        %dma_wait3A_114 = tpu.memref_slice %arg7[%dma_wait3A_112, %dma_wait3A_113] : memref<2x128xi32, #tpu.memory_space<vmem>> -> memref<1x128xi32, #tpu.memory_space<vmem>>
        %dma_wait3A_115 = tpu.memref_squeeze %dma_wait3A_114 : memref<1x128xi32, #tpu.memory_space<vmem>> -> memref<128xi32, #tpu.memory_space<vmem>>
        %dma_wait3A_116 = arith.constant 0 : i32
        %dma_wait3A_117 = arith.constant 0 : i32
        %dma_wait3A_118 = tpu.memref_slice %arg10[%dma_wait3A_116, %dma_wait3A_117] : memref<10112x128xf32, #tpu.memory_space<vmem_shared>> -> memref<10112x128xf32, #tpu.memory_space<vmem_shared>>
        tpu.wait_indirect_dma semaphore(%arg14 : memref<!tpu.dma_semaphore, #tpu.memory_space<semaphore_mem>>) src(%arg9 : memref<128x128xf32, #tpu.memory_space<vmem>>) dst(%dma_wait3A_118 : memref<10112x128xf32, #tpu.memory_space<vmem_shared>>)
      } else {
      }
      %add3A_77 = arith.constant 1 : i32
      %add3A_78 = arith.addi %add3A_60, %add3A_77 : i32
      "tpu.region"() ({
        %run_scoped3A = tpu.sem_alloc : memref<!tpu.dma_semaphore, #tpu.memory_space<semaphore_mem>>
        %dma_start3A_112 = arith.constant 0 : i32
        %dma_start3A_113 = arith.constant 0 : i32
        %dma_start3A_114 = tpu.memref_slice %arg3[%add3A_78, %dma_start3A_112, %dma_start3A_113] : memref<2528x2x128xi32, #tpu.memory_space<hbm>> -> memref<1x2x128xi32, #tpu.memory_space<hbm>>
        %dma_start3A_115 = tpu.memref_squeeze %dma_start3A_114 : memref<1x2x128xi32, #tpu.memory_space<hbm>> -> memref<2x128xi32, #tpu.memory_space<hbm>>
        %dma_start3A_116 = arith.constant 0 : i32
        %dma_start3A_117 = arith.constant 0 : i32
        %dma_start3A_118 = tpu.memref_slice %arg3[%add3A_78, %dma_start3A_116, %dma_start3A_117] : memref<2528x2x128xi32, #tpu.memory_space<hbm>> -> memref<1x2x128xi32, #tpu.memory_space<hbm>>
        %dma_start3A_119 = tpu.memref_squeeze %dma_start3A_118 : memref<1x2x128xi32, #tpu.memory_space<hbm>> -> memref<2x128xi32, #tpu.memory_space<hbm>>
        tpu.enqueue_dma source(%dma_start3A_119 : memref<2x128xi32, #tpu.memory_space<hbm>>) target(%arg7 : memref<2x128xi32, #tpu.memory_space<vmem>>) target_semaphore(%run_scoped3A : memref<!tpu.dma_semaphore, #tpu.memory_space<semaphore_mem>>)
        %dma_wait3A_120 = arith.constant 0 : i32
        %dma_wait3A_121 = arith.constant 0 : i32
        %dma_wait3A_122 = tpu.memref_slice %arg3[%add3A_78, %dma_wait3A_120, %dma_wait3A_121] : memref<2528x2x128xi32, #tpu.memory_space<hbm>> -> memref<1x2x128xi32, #tpu.memory_space<hbm>>
        %dma_wait3A_123 = tpu.memref_squeeze %dma_wait3A_122 : memref<1x2x128xi32, #tpu.memory_space<hbm>> -> memref<2x128xi32, #tpu.memory_space<hbm>>
        %dma_wait3A_124 = arith.constant 0 : i32
        %dma_wait3A_125 = arith.constant 0 : i32
        %dma_wait3A_126 = tpu.memref_slice %arg3[%add3A_78, %dma_wait3A_124, %dma_wait3A_125] : memref<2528x2x128xi32, #tpu.memory_space<hbm>> -> memref<1x2x128xi32, #tpu.memory_space<hbm>>
        %dma_wait3A_127 = tpu.memref_squeeze %dma_wait3A_126 : memref<1x2x128xi32, #tpu.memory_space<hbm>> -> memref<2x128xi32, #tpu.memory_space<hbm>>
        tpu.wait_dma2 semaphore(%run_scoped3A : memref<!tpu.dma_semaphore, #tpu.memory_space<semaphore_mem>>) src(%dma_wait3A_127 : memref<2x128xi32, #tpu.memory_space<hbm>>) dst(%arg7 : memref<2x128xi32, #tpu.memory_space<vmem>>)
        tpu.yield
      }) : () -> ()
      %dma_start3A_79 = arith.constant 0 : i32
      %dma_start3A_80 = arith.constant 0 : i32
      %dma_start3A_81 = tpu.memref_slice %arg7[%dma_start3A_79, %dma_start3A_80] : memref<2x128xi32, #tpu.memory_space<vmem>> -> memref<1x128xi32, #tpu.memory_space<vmem>>
      %dma_start3A_82 = tpu.memref_squeeze %dma_start3A_81 : memref<1x128xi32, #tpu.memory_space<vmem>> -> memref<128xi32, #tpu.memory_space<vmem>>
      %dma_start3A_83 = arith.constant 0 : i32
      %dma_start3A_84 = arith.constant 0 : i32
      %dma_start3A_85 = tpu.memref_slice %arg2[%dma_start3A_83, %dma_start3A_84] : memref<10000x128xf32, #tpu.memory_space<hbm>> -> memref<10000x128xf32, #tpu.memory_space<hbm>>
      tpu.enqueue_indirect_dma source(%dma_start3A_85 : memref<10000x128xf32, #tpu.memory_space<hbm>>) target(%arg9 : memref<128x128xf32, #tpu.memory_space<vmem>>) offsets(%dma_start3A_82 : memref<128xi32, #tpu.memory_space<vmem>>) semaphore(%arg12 : memref<!tpu.dma_semaphore, #tpu.memory_space<semaphore_mem>>)
      %dma_wait3A_86 = arith.constant 0 : i32
      %dma_wait3A_87 = arith.constant 0 : i32
      %dma_wait3A_88 = tpu.memref_slice %arg7[%dma_wait3A_86, %dma_wait3A_87] : memref<2x128xi32, #tpu.memory_space<vmem>> -> memref<1x128xi32, #tpu.memory_space<vmem>>
      %dma_wait3A_89 = tpu.memref_squeeze %dma_wait3A_88 : memref<1x128xi32, #tpu.memory_space<vmem>> -> memref<128xi32, #tpu.memory_space<vmem>>
      %dma_wait3A_90 = arith.constant 0 : i32
      %dma_wait3A_91 = arith.constant 0 : i32
      %dma_wait3A_92 = tpu.memref_slice %arg2[%dma_wait3A_90, %dma_wait3A_91] : memref<10000x128xf32, #tpu.memory_space<hbm>> -> memref<10000x128xf32, #tpu.memory_space<hbm>>
      tpu.wait_indirect_dma semaphore(%arg12 : memref<!tpu.dma_semaphore, #tpu.memory_space<semaphore_mem>>) src(%dma_wait3A_92 : memref<10000x128xf32, #tpu.memory_space<hbm>>) dst(%arg9 : memref<128x128xf32, #tpu.memory_space<vmem>>)
      %dma_start3A_93 = arith.constant 1 : i32
      %dma_start3A_94 = arith.constant 0 : i32
      %dma_start3A_95 = tpu.memref_slice %arg7[%dma_start3A_93, %dma_start3A_94] : memref<2x128xi32, #tpu.memory_space<vmem>> -> memref<1x128xi32, #tpu.memory_space<vmem>>
      %dma_start3A_96 = tpu.memref_squeeze %dma_start3A_95 : memref<1x128xi32, #tpu.memory_space<vmem>> -> memref<128xi32, #tpu.memory_space<vmem>>
      %dma_start3A_97 = arith.constant 0 : i32
      %dma_start3A_98 = arith.constant 0 : i32
      %dma_start3A_99 = tpu.memref_slice %arg10[%dma_start3A_97, %dma_start3A_98] : memref<10112x128xf32, #tpu.memory_space<vmem_shared>> -> memref<10112x128xf32, #tpu.memory_space<vmem_shared>>
      tpu.enqueue_indirect_dma source(%arg9 : memref<128x128xf32, #tpu.memory_space<vmem>>) target(%dma_start3A_99 : memref<10112x128xf32, #tpu.memory_space<vmem_shared>>) offsets(%dma_start3A_96 : memref<128xi32, #tpu.memory_space<vmem>>) semaphore(%arg14 : memref<!tpu.dma_semaphore, #tpu.memory_space<semaphore_mem>>) {add = true}
      %dma_wait3A_100 = arith.constant 1 : i32
      %dma_wait3A_101 = arith.constant 0 : i32
      %dma_wait3A_102 = tpu.memref_slice %arg6[%dma_wait3A_100, %dma_wait3A_101] : memref<2x128xi32, #tpu.memory_space<vmem>> -> memref<1x128xi32, #tpu.memory_space<vmem>>
      %dma_wait3A_103 = tpu.memref_squeeze %dma_wait3A_102 : memref<1x128xi32, #tpu.memory_space<vmem>> -> memref<128xi32, #tpu.memory_space<vmem>>
      %dma_wait3A_104 = arith.constant 0 : i32
      %dma_wait3A_105 = arith.constant 0 : i32
      %dma_wait3A_106 = tpu.memref_slice %arg10[%dma_wait3A_104, %dma_wait3A_105] : memref<10112x128xf32, #tpu.memory_space<vmem_shared>> -> memref<10112x128xf32, #tpu.memory_space<vmem_shared>>
      tpu.wait_indirect_dma semaphore(%arg13 : memref<!tpu.dma_semaphore, #tpu.memory_space<semaphore_mem>>) src(%arg8 : memref<128x128xf32, #tpu.memory_space<vmem>>) dst(%dma_wait3A_106 : memref<10112x128xf32, #tpu.memory_space<vmem_shared>>)
      %add3A_107 = arith.constant 1 : i32
      %add3A_108 = arith.addi %while3A_57, %add3A_107 : i32
      %lt3A = arith.cmpi slt, %add3A_108, %select_n3A_30 : i32
      %convert_element_type3A_109 = arith.extui %lt3A : i1 to i32
      %cond3A_110 = arith.constant 0 : i32
      %cond3A_111 = arith.cmpi ne, %convert_element_type3A_109, %cond3A_110 : i32
      scf.if %cond3A_111 {
        %add3A_112 = arith.constant 2 : i32
        %add3A_113 = arith.addi %add3A_60, %add3A_112 : i32
        "tpu.region"() ({
          %run_scoped3A = tpu.sem_alloc : memref<!tpu.dma_semaphore, #tpu.memory_space<semaphore_mem>>
          %dma_start3A_121 = arith.constant 0 : i32
          %dma_start3A_122 = arith.constant 0 : i32
          %dma_start3A_123 = tpu.memref_slice %arg3[%add3A_113, %dma_start3A_121, %dma_start3A_122] : memref<2528x2x128xi32, #tpu.memory_space<hbm>> -> memref<1x2x128xi32, #tpu.memory_space<hbm>>
          %dma_start3A_124 = tpu.memref_squeeze %dma_start3A_123 : memref<1x2x128xi32, #tpu.memory_space<hbm>> -> memref<2x128xi32, #tpu.memory_space<hbm>>
          %dma_start3A_125 = arith.constant 0 : i32
          %dma_start3A_126 = arith.constant 0 : i32
          %dma_start3A_127 = tpu.memref_slice %arg3[%add3A_113, %dma_start3A_125, %dma_start3A_126] : memref<2528x2x128xi32, #tpu.memory_space<hbm>> -> memref<1x2x128xi32, #tpu.memory_space<hbm>>
          %dma_start3A_128 = tpu.memref_squeeze %dma_start3A_127 : memref<1x2x128xi32, #tpu.memory_space<hbm>> -> memref<2x128xi32, #tpu.memory_space<hbm>>
          tpu.enqueue_dma source(%dma_start3A_128 : memref<2x128xi32, #tpu.memory_space<hbm>>) target(%arg6 : memref<2x128xi32, #tpu.memory_space<vmem>>) target_semaphore(%run_scoped3A : memref<!tpu.dma_semaphore, #tpu.memory_space<semaphore_mem>>)
          %dma_wait3A_129 = arith.constant 0 : i32
          %dma_wait3A_130 = arith.constant 0 : i32
          %dma_wait3A_131 = tpu.memref_slice %arg3[%add3A_113, %dma_wait3A_129, %dma_wait3A_130] : memref<2528x2x128xi32, #tpu.memory_space<hbm>> -> memref<1x2x128xi32, #tpu.memory_space<hbm>>
          %dma_wait3A_132 = tpu.memref_squeeze %dma_wait3A_131 : memref<1x2x128xi32, #tpu.memory_space<hbm>> -> memref<2x128xi32, #tpu.memory_space<hbm>>
          %dma_wait3A_133 = arith.constant 0 : i32
          %dma_wait3A_134 = arith.constant 0 : i32
          %dma_wait3A_135 = tpu.memref_slice %arg3[%add3A_113, %dma_wait3A_133, %dma_wait3A_134] : memref<2528x2x128xi32, #tpu.memory_space<hbm>> -> memref<1x2x128xi32, #tpu.memory_space<hbm>>
          %dma_wait3A_136 = tpu.memref_squeeze %dma_wait3A_135 : memref<1x2x128xi32, #tpu.memory_space<hbm>> -> memref<2x128xi32, #tpu.memory_space<hbm>>
          tpu.wait_dma2 semaphore(%run_scoped3A : memref<!tpu.dma_semaphore, #tpu.memory_space<semaphore_mem>>) src(%dma_wait3A_136 : memref<2x128xi32, #tpu.memory_space<hbm>>) dst(%arg6 : memref<2x128xi32, #tpu.memory_space<vmem>>)
          tpu.yield
        }) : () -> ()
        %dma_start3A_114 = arith.constant 0 : i32
        %dma_start3A_115 = arith.constant 0 : i32
        %dma_start3A_116 = tpu.memref_slice %arg6[%dma_start3A_114, %dma_start3A_115] : memref<2x128xi32, #tpu.memory_space<vmem>> -> memref<1x128xi32, #tpu.memory_space<vmem>>
        %dma_start3A_117 = tpu.memref_squeeze %dma_start3A_116 : memref<1x128xi32, #tpu.memory_space<vmem>> -> memref<128xi32, #tpu.memory_space<vmem>>
        %dma_start3A_118 = arith.constant 0 : i32
        %dma_start3A_119 = arith.constant 0 : i32
        %dma_start3A_120 = tpu.memref_slice %arg2[%dma_start3A_118, %dma_start3A_119] : memref<10000x128xf32, #tpu.memory_space<hbm>> -> memref<10000x128xf32, #tpu.memory_space<hbm>>
        tpu.enqueue_indirect_dma source(%dma_start3A_120 : memref<10000x128xf32, #tpu.memory_space<hbm>>) target(%arg8 : memref<128x128xf32, #tpu.memory_space<vmem>>) offsets(%dma_start3A_117 : memref<128xi32, #tpu.memory_space<vmem>>) semaphore(%arg11 : memref<!tpu.dma_semaphore, #tpu.memory_space<semaphore_mem>>)
      } else {
      }
    }
    %dma_wait3A = arith.constant 1 : i32
    %dma_wait3A_46 = arith.constant 0 : i32
    %dma_wait3A_47 = tpu.memref_slice %arg7[%dma_wait3A, %dma_wait3A_46] : memref<2x128xi32, #tpu.memory_space<vmem>> -> memref<1x128xi32, #tpu.memory_space<vmem>>
    %dma_wait3A_48 = tpu.memref_squeeze %dma_wait3A_47 : memref<1x128xi32, #tpu.memory_space<vmem>> -> memref<128xi32, #tpu.memory_space<vmem>>
    %dma_wait3A_49 = arith.constant 0 : i32
    %dma_wait3A_50 = arith.constant 0 : i32
    %dma_wait3A_51 = tpu.memref_slice %arg10[%dma_wait3A_49, %dma_wait3A_50] : memref<10112x128xf32, #tpu.memory_space<vmem_shared>> -> memref<10112x128xf32, #tpu.memory_space<vmem_shared>>
    tpu.wait_indirect_dma semaphore(%arg14 : memref<!tpu.dma_semaphore, #tpu.memory_space<semaphore_mem>>) src(%arg9 : memref<128x128xf32, #tpu.memory_space<vmem>>) dst(%dma_wait3A_51 : memref<10112x128xf32, #tpu.memory_space<vmem_shared>>)
    %barrier3A_52 = arith.constant 0 : index
    tpu.barrier barrier_id(%barrier3A_52)
    %mul3A_53 = arith.constant 632 : i32
    %mul3A_54 = arith.muli %arg1, %mul3A_53 : i32
    %mul3A_55 = arith.constant 632 : i32
    %mul3A_56 = arith.muli %arg1, %mul3A_55 : i32
    "tpu.region"() ({
      %run_scoped3A = tpu.sem_alloc : memref<!tpu.dma_semaphore, #tpu.memory_space<semaphore_mem>>
      %dma_start3A_57 = arith.constant 0 : i32
      %dma_start3A_58 = tpu.memref_slice %arg5[%arg0, %mul3A_56, %dma_start3A_57] : memref<2x10112x128xf32, #tpu.memory_space<hbm>> -> memref<1x632x128xf32, #tpu.memory_space<hbm>>
      %dma_start3A_59 = tpu.memref_squeeze %dma_start3A_58 : memref<1x632x128xf32, #tpu.memory_space<hbm>> -> memref<632x128xf32, #tpu.memory_space<hbm>>
      %dma_start3A_60 = arith.constant 0 : i32
      %dma_start3A_61 = tpu.memref_slice %arg10[%mul3A_54, %dma_start3A_60] : memref<10112x128xf32, #tpu.memory_space<vmem_shared>> -> memref<632x128xf32, #tpu.memory_space<vmem_shared>>
      tpu.enqueue_dma source(%dma_start3A_61 : memref<632x128xf32, #tpu.memory_space<vmem_shared>>) target(%dma_start3A_59 : memref<632x128xf32, #tpu.memory_space<hbm>>) target_semaphore(%run_scoped3A : memref<!tpu.dma_semaphore, #tpu.memory_space<semaphore_mem>>)
      %dma_wait3A_62 = arith.constant 0 : i32
      %dma_wait3A_63 = tpu.memref_slice %arg5[%arg0, %mul3A_56, %dma_wait3A_62] : memref<2x10112x128xf32, #tpu.memory_space<hbm>> -> memref<1x632x128xf32, #tpu.memory_space<hbm>>
      %dma_wait3A_64 = tpu.memref_squeeze %dma_wait3A_63 : memref<1x632x128xf32, #tpu.memory_space<hbm>> -> memref<632x128xf32, #tpu.memory_space<hbm>>
      %dma_wait3A_65 = arith.constant 0 : i32
      %dma_wait3A_66 = tpu.memref_slice %arg10[%mul3A_54, %dma_wait3A_65] : memref<10112x128xf32, #tpu.memory_space<vmem_shared>> -> memref<632x128xf32, #tpu.memory_space<vmem_shared>>
      tpu.wait_dma2 semaphore(%run_scoped3A : memref<!tpu.dma_semaphore, #tpu.memory_space<semaphore_mem>>) src(%dma_wait3A_66 : memref<632x128xf32, #tpu.memory_space<vmem_shared>>) dst(%dma_wait3A_64 : memref<632x128xf32, #tpu.memory_space<hbm>>)
      tpu.yield
    }) : () -> ()
    return
  }
}

module attributes {stable_mosaic.version = 14 : i64} {
  func.func @body(%arg0: i32, %arg1: memref<2x1000x128xf32, #tpu.memory_space<vmem>>, %arg2: memref<1000x128xf32, #tpu.memory_space<vmem>>, %arg3: memref<128x128xf32, #tpu.memory_space<vmem>>, %arg4: memref<1000x1xf32, #tpu.memory_space<vmem>>, %arg5: memref<1000x128xf32, #tpu.memory_space<vmem>>) attributes {dimension_semantics = [#tpu.dimension_semantics<arbitrary>], iteration_bounds = array<i64: 10>, scalar_prefetch = 0 : i64, scratch_operands = 0 : i64, tpu.core_type = #tpu.core_type<tc>, window_params = [{transform_indices = @transform_0, window_bounds = array<i64: 2, 1000, 128>}, {transform_indices = @transform_1, window_bounds = array<i64: 1000, 128>}, {pipeline_mode = #tpu.pipeline_mode<synchronous>, transform_indices = @transform_2, window_bounds = array<i64: 128, 128>}, {transform_indices = @transform_3, window_bounds = array<i64: 1000, 1>}, {transform_indices = @transform_4, window_bounds = array<i64: 1000, 128>}]} {
    %get3A = arith.constant 0 : index
    %get3A_0 = arith.constant 0 : index
    %get3A_1 = arith.constant 0 : index
    %get3A_2 = vector.load %arg1[%get3A, %get3A_0, %get3A_1] : memref<2x1000x128xf32, #tpu.memory_space<vmem>>, vector<2x1000x128xf32>
    %slice3A = vector.extract_strided_slice %get3A_2 {offsets = [0, 0, 0], sizes = [1, 1000, 1], strides = [1, 1, 1]} : vector<2x1000x128xf32> to vector<1x1000x1xf32>
    %squeeze3A = vector.shape_cast %slice3A : vector<1x1000x1xf32> to vector<1000x1xf32>
    %slice3A_3 = vector.extract_strided_slice %get3A_2 {offsets = [1, 0, 0], sizes = [1, 1000, 1], strides = [1, 1, 1]} : vector<2x1000x128xf32> to vector<1x1000x1xf32>
    %squeeze3A_4 = vector.shape_cast %slice3A_3 : vector<1x1000x1xf32> to vector<1000x1xf32>
    %add3A = arith.addf %squeeze3A, %squeeze3A_4 : vector<1000x1xf32>
    %add3A_5 = arith.constant 1.000000e+00 : f32
    %add3A_6 = vector.broadcast %add3A_5 : f32 to vector<1000x1xf32>
    %add3A_7 = arith.addf %add3A, %add3A_6 : vector<1000x1xf32>
    %rsqrt3A = math.rsqrt %add3A_7 : vector<1000x1xf32>
    %swap3A = arith.constant 0 : index
    %swap3A_8 = arith.constant 0 : index
    %swap3A_9 = vector.load %arg4[%swap3A, %swap3A_8] : memref<1000x1xf32, #tpu.memory_space<vmem>>, vector<1000x1xf32>
    tpu.vector_store %arg4[%swap3A, %swap3A_8], %rsqrt3A {strides = array<i32>} : memref<1000x1xf32, #tpu.memory_space<vmem>>, vector<1000x1xf32>,
    %get3A_10 = arith.constant 0 : index
    %get3A_11 = arith.constant 0 : index
    %get3A_12 = vector.load %arg2[%get3A_10, %get3A_11] : memref<1000x128xf32, #tpu.memory_space<vmem>>, vector<1000x128xf32>
    %get3A_13 = arith.constant 0 : index
    %get3A_14 = arith.constant 0 : index
    %get3A_15 = vector.load %arg3[%get3A_13, %get3A_14] : memref<128x128xf32, #tpu.memory_space<vmem>>, vector<128x128xf32>
    %dot_general3A = arith.constant dense<0.000000e+00> : vector<1000x128xf32>
    %dot_general3A_16 = tpu.matmul %get3A_12, %get3A_15, %dot_general3A {dimension_numbers = #tpu.dot_dimension_numbers<[1], [0], [0], [1], [0, 0, 1, 1], [], []>, transpose_lhs_hint = false} : vector<1000x128xf32>, vector<128x128xf32>, vector<1000x128xf32> -> vector<1000x128xf32>
    %mul3A = vector.broadcast %rsqrt3A : vector<1000x1xf32> to vector<1000x128xf32>
    %mul3A_17 = arith.mulf %mul3A, %dot_general3A_16 : vector<1000x128xf32>
    %swap3A_18 = arith.constant 0 : index
    %swap3A_19 = arith.constant 0 : index
    %swap3A_20 = vector.load %arg5[%swap3A_18, %swap3A_19] : memref<1000x128xf32, #tpu.memory_space<vmem>>, vector<1000x128xf32>
    tpu.vector_store %arg5[%swap3A_18, %swap3A_19], %mul3A_17 {strides = array<i32>} : memref<1000x128xf32, #tpu.memory_space<vmem>>, vector<1000x128xf32>,
    return
  }
  func.func @transform_0(%arg0: i32) -> (i32, i32, i32) {
    %c0_i32 = arith.constant 0 : i32
    %c0_i32_0 = arith.constant 0 : i32
    %c0_i32_1 = arith.constant 0 : i32
    return %c0_i32, %arg0, %c0_i32_0 : i32, i32, i32
  }
  func.func @transform_1(%arg0: i32) -> (i32, i32) {
    %c0_i32 = arith.constant 0 : i32
    %c0_i32_0 = arith.constant 0 : i32
    return %arg0, %c0_i32 : i32, i32
  }
  func.func @transform_2(%arg0: i32) -> (i32, i32) {
    %c0_i32 = arith.constant 0 : i32
    %c0_i32_0 = arith.constant 0 : i32
    %c0_i32_1 = arith.constant 0 : i32
    return %c0_i32, %c0_i32_0 : i32, i32
  }
  func.func @transform_3(%arg0: i32) -> (i32, i32) {
    %c0_i32 = arith.constant 0 : i32
    %c0_i32_0 = arith.constant 0 : i32
    return %arg0, %c0_i32 : i32, i32
  }
  func.func @transform_4(%arg0: i32) -> (i32, i32) {
    %c0_i32 = arith.constant 0 : i32
    %c0_i32_0 = arith.constant 0 : i32
    return %arg0, %c0_i32 : i32, i32
  }
}

module attributes {stable_mosaic.version = 14 : i64} {
  func.func @body(%arg0: i32, %arg1: memref<2x1000x128xf32, #tpu.memory_space<vmem>>, %arg2: memref<1000x128xf32, #tpu.memory_space<vmem>>, %arg3: memref<1000x1xf32, #tpu.memory_space<vmem>>, %arg4: memref<1x128xf32, #tpu.memory_space<vmem>>, %arg5: memref<128x128xf32, #tpu.memory_space<vmem>>, %arg6: memref<1000x128xf32, #tpu.memory_space<vmem>>) attributes {dimension_semantics = [#tpu.dimension_semantics<arbitrary>], iteration_bounds = array<i64: 10>, scalar_prefetch = 0 : i64, scratch_operands = 0 : i64, tpu.core_type = #tpu.core_type<tc>, window_params = [{transform_indices = @transform_0, window_bounds = array<i64: 2, 1000, 128>}, {transform_indices = @transform_1, window_bounds = array<i64: 1000, 128>}, {transform_indices = @transform_2, window_bounds = array<i64: 1000, 1>}, {pipeline_mode = #tpu.pipeline_mode<synchronous>, transform_indices = @transform_3, window_bounds = array<i64: 1, 128>}, {pipeline_mode = #tpu.pipeline_mode<synchronous>, transform_indices = @transform_4, window_bounds = array<i64: 128, 128>}, {transform_indices = @transform_5, window_bounds = array<i64: 1000, 128>}]} {
    %get3A = arith.constant 0 : index
    %get3A_0 = arith.constant 0 : index
    %get3A_1 = arith.constant 0 : index
    %get3A_2 = vector.load %arg1[%get3A, %get3A_0, %get3A_1] : memref<2x1000x128xf32, #tpu.memory_space<vmem>>, vector<2x1000x128xf32>
    %slice3A = vector.extract_strided_slice %get3A_2 {offsets = [0, 0, 0], sizes = [1, 1000, 128], strides = [1, 1, 1]} : vector<2x1000x128xf32> to vector<1x1000x128xf32>
    %squeeze3A = vector.shape_cast %slice3A : vector<1x1000x128xf32> to vector<1000x128xf32>
    %slice3A_3 = vector.extract_strided_slice %get3A_2 {offsets = [1, 0, 0], sizes = [1, 1000, 128], strides = [1, 1, 1]} : vector<2x1000x128xf32> to vector<1x1000x128xf32>
    %squeeze3A_4 = vector.shape_cast %slice3A_3 : vector<1x1000x128xf32> to vector<1000x128xf32>
    %add3A = arith.addf %squeeze3A, %squeeze3A_4 : vector<1000x128xf32>
    %get3A_5 = arith.constant 0 : index
    %get3A_6 = arith.constant 0 : index
    %get3A_7 = vector.load %arg2[%get3A_5, %get3A_6] : memref<1000x128xf32, #tpu.memory_space<vmem>>, vector<1000x128xf32>
    %add3A_8 = arith.addf %add3A, %get3A_7 : vector<1000x128xf32>
    %get3A_9 = arith.constant 0 : index
    %get3A_10 = arith.constant 0 : index
    %get3A_11 = vector.load %arg3[%get3A_9, %get3A_10] : memref<1000x1xf32, #tpu.memory_space<vmem>>, vector<1000x1xf32>
    %mul3A = vector.broadcast %get3A_11 : vector<1000x1xf32> to vector<1000x128xf32>
    %mul3A_12 = arith.mulf %mul3A, %add3A_8 : vector<1000x128xf32>
    %get3A_13 = arith.constant 0 : index
    %get3A_14 = arith.constant 0 : index
    %get3A_15 = vector.load %arg4[%get3A_13, %get3A_14] : memref<1x128xf32, #tpu.memory_space<vmem>>, vector<1x128xf32>
    %add3A_16 = vector.broadcast %get3A_15 : vector<1x128xf32> to vector<1000x128xf32>
    %add3A_17 = arith.addf %mul3A_12, %add3A_16 : vector<1000x128xf32>
    %max3A = arith.constant 0.000000e+00 : f32
    %max3A_18 = vector.broadcast %max3A : f32 to vector<1000x128xf32>
    %max3A_19 = arith.maximumf %add3A_17, %max3A_18 : vector<1000x128xf32>
    %get3A_20 = arith.constant 0 : index
    %get3A_21 = arith.constant 0 : index
    %get3A_22 = vector.load %arg3[%get3A_20, %get3A_21] : memref<1000x1xf32, #tpu.memory_space<vmem>>, vector<1000x1xf32>
    %get3A_23 = arith.constant 0 : index
    %get3A_24 = arith.constant 0 : index
    %get3A_25 = vector.load %arg5[%get3A_23, %get3A_24] : memref<128x128xf32, #tpu.memory_space<vmem>>, vector<128x128xf32>
    %dot_general3A = arith.constant dense<0.000000e+00> : vector<1000x128xf32>
    %dot_general3A_26 = tpu.matmul %max3A_19, %get3A_25, %dot_general3A {dimension_numbers = #tpu.dot_dimension_numbers<[1], [0], [0], [1], [0, 0, 1, 1], [], []>, transpose_lhs_hint = false} : vector<1000x128xf32>, vector<128x128xf32>, vector<1000x128xf32> -> vector<1000x128xf32>
    %mul3A_27 = vector.broadcast %get3A_22 : vector<1000x1xf32> to vector<1000x128xf32>
    %mul3A_28 = arith.mulf %mul3A_27, %dot_general3A_26 : vector<1000x128xf32>
    %swap3A = arith.constant 0 : index
    %swap3A_29 = arith.constant 0 : index
    %swap3A_30 = vector.load %arg6[%swap3A, %swap3A_29] : memref<1000x128xf32, #tpu.memory_space<vmem>>, vector<1000x128xf32>
    tpu.vector_store %arg6[%swap3A, %swap3A_29], %mul3A_28 {strides = array<i32>} : memref<1000x128xf32, #tpu.memory_space<vmem>>, vector<1000x128xf32>,
    return
  }
  func.func @transform_0(%arg0: i32) -> (i32, i32, i32) {
    %c0_i32 = arith.constant 0 : i32
    %c0_i32_0 = arith.constant 0 : i32
    %c0_i32_1 = arith.constant 0 : i32
    return %c0_i32, %arg0, %c0_i32_0 : i32, i32, i32
  }
  func.func @transform_1(%arg0: i32) -> (i32, i32) {
    %c0_i32 = arith.constant 0 : i32
    %c0_i32_0 = arith.constant 0 : i32
    return %arg0, %c0_i32 : i32, i32
  }
  func.func @transform_2(%arg0: i32) -> (i32, i32) {
    %c0_i32 = arith.constant 0 : i32
    %c0_i32_0 = arith.constant 0 : i32
    return %arg0, %c0_i32 : i32, i32
  }
  func.func @transform_3(%arg0: i32) -> (i32, i32) {
    %c0_i32 = arith.constant 0 : i32
    %c0_i32_0 = arith.constant 0 : i32
    %c0_i32_1 = arith.constant 0 : i32
    return %c0_i32, %c0_i32_0 : i32, i32
  }
  func.func @transform_4(%arg0: i32) -> (i32, i32) {
    %c0_i32 = arith.constant 0 : i32
    %c0_i32_0 = arith.constant 0 : i32
    %c0_i32_1 = arith.constant 0 : i32
    return %c0_i32, %c0_i32_0 : i32, i32
  }
  func.func @transform_5(%arg0: i32) -> (i32, i32) {
    %c0_i32 = arith.constant 0 : i32
    %c0_i32_0 = arith.constant 0 : i32
    return %arg0, %c0_i32 : i32, i32
  }
}

module attributes {stable_mosaic.version = 14 : i64} {
  func.func @body(%arg0: i32, %arg1: memref<2x1000x128xf32, #tpu.memory_space<vmem>>, %arg2: memref<1000x128xf32, #tpu.memory_space<vmem>>, %arg3: memref<1000x1xf32, #tpu.memory_space<vmem>>, %arg4: memref<1x128xf32, #tpu.memory_space<vmem>>, %arg5: memref<1000x128xf32, #tpu.memory_space<vmem>>) attributes {dimension_semantics = [#tpu.dimension_semantics<arbitrary>], iteration_bounds = array<i64: 10>, scalar_prefetch = 0 : i64, scratch_operands = 0 : i64, tpu.core_type = #tpu.core_type<tc>, window_params = [{transform_indices = @transform_0, window_bounds = array<i64: 2, 1000, 128>}, {transform_indices = @transform_1, window_bounds = array<i64: 1000, 128>}, {transform_indices = @transform_2, window_bounds = array<i64: 1000, 1>}, {pipeline_mode = #tpu.pipeline_mode<synchronous>, transform_indices = @transform_3, window_bounds = array<i64: 1, 128>}, {transform_indices = @transform_4, window_bounds = array<i64: 1000, 128>}]} {
    %get3A = arith.constant 0 : index
    %get3A_0 = arith.constant 0 : index
    %get3A_1 = arith.constant 0 : index
    %get3A_2 = vector.load %arg1[%get3A, %get3A_0, %get3A_1] : memref<2x1000x128xf32, #tpu.memory_space<vmem>>, vector<2x1000x128xf32>
    %slice3A = vector.extract_strided_slice %get3A_2 {offsets = [0, 0, 0], sizes = [1, 1000, 128], strides = [1, 1, 1]} : vector<2x1000x128xf32> to vector<1x1000x128xf32>
    %squeeze3A = vector.shape_cast %slice3A : vector<1x1000x128xf32> to vector<1000x128xf32>
    %slice3A_3 = vector.extract_strided_slice %get3A_2 {offsets = [1, 0, 0], sizes = [1, 1000, 128], strides = [1, 1, 1]} : vector<2x1000x128xf32> to vector<1x1000x128xf32>
    %squeeze3A_4 = vector.shape_cast %slice3A_3 : vector<1x1000x128xf32> to vector<1000x128xf32>
    %add3A = arith.addf %squeeze3A, %squeeze3A_4 : vector<1000x128xf32>
    %get3A_5 = arith.constant 0 : index
    %get3A_6 = arith.constant 0 : index
    %get3A_7 = vector.load %arg2[%get3A_5, %get3A_6] : memref<1000x128xf32, #tpu.memory_space<vmem>>, vector<1000x128xf32>
    %add3A_8 = arith.addf %add3A, %get3A_7 : vector<1000x128xf32>
    %get3A_9 = arith.constant 0 : index
    %get3A_10 = arith.constant 0 : index
    %get3A_11 = vector.load %arg3[%get3A_9, %get3A_10] : memref<1000x1xf32, #tpu.memory_space<vmem>>, vector<1000x1xf32>
    %mul3A = vector.broadcast %get3A_11 : vector<1000x1xf32> to vector<1000x128xf32>
    %mul3A_12 = arith.mulf %mul3A, %add3A_8 : vector<1000x128xf32>
    %get3A_13 = arith.constant 0 : index
    %get3A_14 = arith.constant 0 : index
    %get3A_15 = vector.load %arg4[%get3A_13, %get3A_14] : memref<1x128xf32, #tpu.memory_space<vmem>>, vector<1x128xf32>
    %add3A_16 = vector.broadcast %get3A_15 : vector<1x128xf32> to vector<1000x128xf32>
    %add3A_17 = arith.addf %mul3A_12, %add3A_16 : vector<1000x128xf32>
    %swap3A = arith.constant 0 : index
    %swap3A_18 = arith.constant 0 : index
    %swap3A_19 = vector.load %arg5[%swap3A, %swap3A_18] : memref<1000x128xf32, #tpu.memory_space<vmem>>, vector<1000x128xf32>
    tpu.vector_store %arg5[%swap3A, %swap3A_18], %add3A_17 {strides = array<i32>} : memref<1000x128xf32, #tpu.memory_space<vmem>>, vector<1000x128xf32>,
    return
  }
  func.func @transform_0(%arg0: i32) -> (i32, i32, i32) {
    %c0_i32 = arith.constant 0 : i32
    %c0_i32_0 = arith.constant 0 : i32
    %c0_i32_1 = arith.constant 0 : i32
    return %c0_i32, %arg0, %c0_i32_0 : i32, i32, i32
  }
  func.func @transform_1(%arg0: i32) -> (i32, i32) {
    %c0_i32 = arith.constant 0 : i32
    %c0_i32_0 = arith.constant 0 : i32
    return %arg0, %c0_i32 : i32, i32
  }
  func.func @transform_2(%arg0: i32) -> (i32, i32) {
    %c0_i32 = arith.constant 0 : i32
    %c0_i32_0 = arith.constant 0 : i32
    return %arg0, %c0_i32 : i32, i32
  }
  func.func @transform_3(%arg0: i32) -> (i32, i32) {
    %c0_i32 = arith.constant 0 : i32
    %c0_i32_0 = arith.constant 0 : i32
    %c0_i32_1 = arith.constant 0 : i32
    return %c0_i32, %c0_i32_0 : i32, i32
  }
  func.func @transform_4(%arg0: i32) -> (i32, i32) {
    %c0_i32 = arith.constant 0 : i32
    %c0_i32_0 = arith.constant 0 : i32
    return %arg0, %c0_i32 : i32, i32
  }
}

</mosaic_0001>

<sc_bundles>
// kernel: kernel.11.cloned.1.call-start
scs
__scs_entry_jumppad:
0x0: {  	(pc) =	sbr.rel $0x88, $3  }
0x1: {  	(tag) =	ssettag $0x0;
	lr =	simm.s32 $0x1  }
0x2: {  	[smem:$0x3F9B] =	sst lr;
	_ =	strace $0xD0000000  }
0x3: {  	_ = 	snop  }
0x4: {  	_ = 	snop  }
0x5: {  	_ = 	snop  }
0x6: {  	_ = 	snop  }
0x7: {  	_ = 	snop  }
__scs_overlays_trampoline_lowered:
0x8: {  	[smem:$0x3FAA] =	sst s0  }
0x9: {  	[smem:$0x3FAB] =	sst s1  }
0xa: {  	[smem:$0x3FAC] =	sst s2  }
0xb: {  	[smem:$0x3FAD] =	sst s3  }
0xc: {  	[smem:$0x3FAE] =	sst s4  }
0xd: {  	[smem:$0x3FAF] =	sst s5  }
0xe: {  	[smem:$0x3FB0] =	sst s6  }
0xf: {  	[smem:$0x3FB1] =	sst s7  }
0x10: {  	[smem:$0x3FB2] =	sst s8  }
0x11: {  	[smem:$0x3FB3] =	sst s9;
	s0 =	simm.s32 @!p0 $0x0  }
0x12: {  	s1 =	sld [smem:$0x3F99];
	s0 =	simm.s32 @p0 $0x1  }
0x13: {  	[smem:$0x3FB4] =	sst s0;
	s0 =	simm.s32 @!p1 $0x0  }
0x14: {  	s2 =	sld [smem:$0x3F98];
	s0 =	simm.s32 @p1 $0x1  }
0x15: {  	[smem:$0x3FB5] =	sst s0;
	s0 =	simm.s32 @!p2 $0x0  }
0x16: {  	s3 =	sld [smem:$0x3FDB];
	s0 =	simm.s32 @p2 $0x1  }
0x17: {  	s4 =	simm.s32 $0x1BF5;
	[smem:$0x3FB7] =	sst s0  }
0x18: {  	s0 =	sld [smem:$0x3F9A];
	_ =	swait.ge [sflag:s4], $0x0  }
0x19: {  	s7 =	sld [smem:$0x3F9B]  }
0x1a: {  	s8 =	sadd.s32 $0xFFFFE003, lr  }
0x1b: {  	s9 =	sadd.s32 $0xFFFFFEF7, lr;
	s5 =	simm.s32 $0xFFFFFFFF;
	p2 =	slt.u32 s8, $0xFFFFF086  }
0x1c: {  	p1 =	slt.u32 s9, $0xF7A;
	s5 =	simm.s32 @!p2 $0x0  }
0x1d: {  	s5 =	simm.s32 @p1 $0x1;
	p0 =	seq.s32 s7, s2  }
0x1e: {  	s7 =	smul.u32 @!p0 $0xF7A, s2;
	p2 =	seq.s32 @!p0 s5, $0x0  }
0x1f: {  	s9 =	smul.u32 $0xF7A, s1;
	s8 =	simm.s32 @!p0 $0x1BF5;
	p2 =	por !p2, p0  }
0x20: {  	[sflag:s8] =	ssyncset.s32 @!p0 $0xFFFFF086;
	s6 =	sadd.s32 @!p0 s3, s7;
	s7 =	simm.s32 @!p0 $0x108  }
0x21: {  	s3 =	sadd.s32 s3, s9;
	s6 =	sadd.s32 @!p0 $0x88, s6;
	s7 =	simm.s32 @p2 $0x1082  }
0x22: {  	[simem:s7], [sflag:s8] =	dma.local @!p0 [hbm:s6], $0xF7A  }
0x23: {  	s9 =	sor.u32 $0xD0000000, s2;
	s6 =	simm.s32 $0x108;
	_ =	swait.ge @!p0 [sflag:s8], $0x0  }
0x24: {  	s3 =	sadd.s32 $0x88, s3;
	s6 =	simm.s32 @!p1 $0x1082;
	[sflag:s4] =	ssyncset.s32 $0xFFFFF086  }
0x25: {  	[simem:s6], [sflag:s4] =	dma.local [hbm:s3], $0xF7A  }
0x26: {  	[smem:$0x3F9B] =	sst s1;
	(tag) =	ssettag s2;
	_ =	strace s9  }
0x27: {  	s1 =	sld [smem:$0x3FAB]  }
0x28: {  	s2 =	sld [smem:$0x3FAC]  }
0x29: {  	s4 =	sld [smem:$0x3FAE]  }
0x2a: {  	p0 =	seq.s32 s5, $0x0;
	s5 =	sld [smem:$0x3FAF]  }
0x2b: {  	s6 =	sld [smem:$0x3FB0]  }
0x2c: {  	s7 =	sld [smem:$0x3FB1]  }
0x2d: {  	s3 =	simm.s32 $0x108;
	s8 =	sld [smem:$0x3FB2]  }
0x2e: {  	s3 =	simm.s32 @!p0 $0x1082;
	s9 =	sld [smem:$0x3FB3]  }
0x2f: {  	lr =	sadd.s32 s0, s3;
	s0 =	sld [smem:$0x3FAA]  }
0x30: {  	s3 =	sld [smem:$0x3FAD]  }
0x31: {  	[smem:$0x3FB6] =	sst s10  }
0x32: {  	s10 =	sld [smem:$0x3FB4];
	_ =	sdelay $0x3  }
0x33: {  	p0 =	seq.s32 s10, $0x1;
	s10 =	sld [smem:$0x3FB6];
	_ =	sdelay $0x3  }
0x34: {  	[smem:$0x3FB6] =	sst s10  }
0x35: {  	s10 =	sld [smem:$0x3FB5];
	_ =	sdelay $0x3  }
0x36: {  	p1 =	seq.s32 s10, $0x1;
	s10 =	sld [smem:$0x3FB6];
	_ =	sdelay $0x3  }
0x37: {  	[smem:$0x3FB6] =	sst s10  }
0x38: {  	s10 =	sld [smem:$0x3FB7]  }
0x39: {  	_ = 	snop;
	(pc) =	sbr.ind lr, $3  }
0x3a: {  	_ = 	snop  }
0x3b: {  	_ = 	snop  }
0x3c: {  	p2 =	seq.s32 s10, $0x1;
	s10 =	sld [smem:$0x3FB6]  }
0x3d: {  	_ =	shalt  }
0x3e: {  	_ =	shalt  }
0x3f: {  	_ =	shalt  }
0x40: {  	_ =	shalt  }
0x41: {  	_ =	shalt  }
0x42: {  	_ =	shalt  }
0x43: {  	_ =	shalt  }
0x44: {  	_ =	shalt  }
0x45: {  	_ =	shalt  }
0x46: {  	_ =	shalt  }
0x47: {  	_ =	shalt  }
0x48: {  	_ =	shalt  }
0x49: {  	_ =	shalt  }
0x4a: {  	_ =	shalt  }
0x4b: {  	_ =	shalt  }
0x4c: {  	_ =	shalt  }
0x4d: {  	_ =	shalt  }
0x4e: {  	_ =	shalt  }
0x4f: {  	_ =	shalt  }
0x50: {  	_ =	shalt  }
0x51: {  	_ =	shalt  }
0x52: {  	_ =	shalt  }
0x53: {  	_ =	shalt  }
0x54: {  	_ =	shalt  }
0x55: {  	_ =	shalt  }
0x56: {  	_ =	shalt  }
0x57: {  	_ =	shalt  }
0x58: {  	_ =	shalt  }
0x59: {  	_ =	shalt  }
0x5a: {  	_ =	shalt  }
0x5b: {  	_ =	shalt  }
0x5c: {  	_ =	shalt  }
0x5d: {  	_ =	shalt  }
0x5e: {  	_ =	shalt  }
0x5f: {  	_ =	shalt  }
0x60: {  	_ =	shalt  }
0x61: {  	_ =	shalt  }
0x62: {  	_ =	shalt  }
0x63: {  	_ =	shalt  }
0x64: {  	_ =	shalt  }
0x65: {  	_ =	shalt  }
0x66: {  	_ =	shalt  }
0x67: {  	_ =	shalt  }
0x68: {  	_ =	shalt  }
0x69: {  	_ =	shalt  }
0x6a: {  	_ =	shalt  }
0x6b: {  	_ =	shalt  }
0x6c: {  	_ =	shalt  }
0x6d: {  	_ =	shalt  }
0x6e: {  	_ =	shalt  }
0x6f: {  	_ =	shalt  }
0x70: {  	_ =	shalt  }
0x71: {  	_ =	shalt  }
0x72: {  	_ =	shalt  }
0x73: {  	_ =	shalt  }
0x74: {  	_ =	shalt  }
0x75: {  	_ =	shalt  }
0x76: {  	_ =	shalt  }
0x77: {  	_ =	shalt  }
0x78: {  	_ =	shalt  }
0x79: {  	_ =	shalt  }
0x7a: {  	_ =	shalt  }
0x7b: {  	_ =	shalt  }
0x7c: {  	_ =	shalt  }
0x7d: {  	_ =	shalt  }
0x7e: {  	_ =	shalt  }
0x7f: {  	_ =	shalt  }
0x80: {  	_ =	shalt  }
0x81: {  	_ =	shalt  }
0x82: {  	_ =	shalt  }
0x83: {  	_ =	shalt  }
0x84: {  	_ =	shalt  }
0x85: {  	_ =	shalt  }
0x86: {  	_ =	shalt  }
0x87: {  	_ =	shalt  }
.Lfunc_end0:
.L_simem_size_0:
called_computation.1_lowered:
.L_overlay_start_0:
0x88: {  	s2 =	sld [smem:$0x3FD9]  }
0x89: {  	s3 =	sld [smem:$0x3FFE];
	_ =	sdelay $0x1  }
0x8a: {  	s1 =	srdreg.scid  }
0x8b: {  	s0 =	sand.u32 $0x1, s1  }
0x8c: {  	s17 =	sshll.u32 s0, $0xA;
	s2 =	sadd.s32 s3, s2  }
0x8d: {  	s2 =	sadd.s32 s2, s17  }
0x8e: {  	[smem:$0x3FC2] =	sst s2  }
0x8f: {  	_ = 	snop  }
0x90: {  	s2 =	sld [smem:$0x3FD0];
	(tm) =	ssettm $0x1  }
0x91: {  	s18 =	sld [smem:$0x3FFB];
	_ =	sdelay $0x3  }
0x92: {  	_ =	strace s18  }
0x93: {  	s3 =	sld [smem:$0x3FFC];
	_ =	sdelay $0x3  }
0x94: {  	_ =	strace s3  }
0x95: {  	s3 =	sld [smem:$0x3FFD];
	_ =	sdelay $0x3  }
0x96: {  	_ =	strace s3  }
0x97: {  	_ =	strace $0x8FFFFFFF  }
0x98: {  	s19 =	sld [smem:$0x3FDB];
	_ =	sdelay $0x1  }
0x99: {  	s4 =	simm.s32 $_scs_section_size  }
0x9a: {  	s5 =	simm.s32 $_size__tile_overlayer_lowered;
	s6 =	simm.s32 $_tile_overlayer_lowered  }
0x9b: {  	s22 =	simm.s32 $0x1BFF;
	s21 =	sshll.u32 s6, $0x1;
	s3 =	sadd.s32 s4, s19  }
0x9c: {  	s7 =	simm.s32 $0x0;
	s20 =	sshll.u32 s5, $0x1;
	s5 =	sadd.s32 s21, s3  }
0x9d: {  	[timem:s7], [sflag:s22] =	dma.local [hbm:s5], s20  }
0x9e: {  	_ =	swait.ge [sflag:s22], s20  }
0x9f: {  	s4 =	ssub.s32 $0x0, s20;
	[sflag:s22] =	ssyncset.done $0x0  }
0xa0: {  	[sflag:s22] =	ssyncadd.s32 s4;
	_ =	sdelay $0x1  }
0xa1: {  	s23 =	simm.s32 $0x1B8B  }
0xa2: {  	_ =	swait.ge [sflag:s23], $0x1  }
0xa3: {  	[sflag:s23] =	ssyncset.done $0x0  }
0xa4: {  	s25 =	simm.s32 $0x1B8E;
	s24 =	sld [smem:$0x3FFE];
	[sflag:s23] =	ssyncadd.s32 $0xFFFFFFFF  }
0xa5: {  	s26 =	simm.s32 $execute0_lowered;
	[smem:$0x3FD2] =	sst s25  }
0xa6: {  	s5 =	sshll.u32 s26, $0x1;
	_ =	strace $0x80000049;
	[dreg:$0x1] =	wrdreg $0xFFFFFFFF  }
0xa7: {  	s28 =	simm.s32 $_size_execute0_lowered;
	s3 =	sadd.s32 s3, s5;
	[dreg:$0x0] =	wrdreg $0x0  }
0xa8: {  	s5 =	sshll.u32 s28, $0x1;
	[dreg:$0x2] =	wrdreg s3  }
0xa9: {  	[dreg:$0x3] =	wrdreg s5  }
0xaa: {  	[dreg:$0x4] =	wrdreg $0xC0  }
0xab: {  	_ =	task [dreg:s7], $0x5FFFF  }
0xac: {  	[dreg:$0x1] =	wrdreg $0xFFFFFFFF  }
0xad: {  	[dreg:$0x0] =	wrdreg $0x60  }
0xae: {  	[dreg:$0x2] =	wrdreg s2  }
0xaf: {  	[dreg:$0x3] =	wrdreg s24  }
0xb0: {  	[dreg:$0x4] =	wrdreg $0x82000  }
0xb1: {  	[dreg:$0x5] =	wrdreg $0x9  }
0xb2: {  	_ =	task.clear_ibuf [dreg:s7], $0x6FFFF;
	_ =	strace $0x90000049  }
0xb3: {  	s29 =	simm.s32 $0x9;
	_ =	strace $0x8000004B  }
0xb4: {  	_ =	swait.ge [sflag:s29], $0x1  }
0xb5: {  	[sflag:s29] =	ssyncadd.s32 $0xFFFFFFFF  }
0xb6: {  	_ =	strace $0x9000004B  }
0xb7: {  	_ =	sfence  }
0xb8: {  	s30 =	sld [smem:$0x0];
	_ =	sdelay $0x2  }
0xb9: {  	s31 =	sshll.u32 s1, $0xD;
	s1 =	sshrl.u32 s1, $0x2  }
0xba: {  	s3 =	sand.u32 $0x4000, s31;
	s1 =	sadd.s32 s1, s30  }
0xbb: {  	s0 =	sor.u32 s3, s0;
	s1 =	sshll.u32 s1, $0x11  }
0xbc: {  	s0 =	sor.u32 s1, s0  }
0xbd: {  	s0 =	sadd.s32 $0x8F2B, s0  }
0xbe: {  	[sflag:s0] =	ssyncadd.remote.s32 $0x1  }
0xbf: {  	_ =	sfence.sel $0xFFFF  }
0xc0: {  	[dreg:$0x0] =	wrdreg $0xFFFFFFFF;
	(pc) =	sbr.abs _section_cstart, $3  }
0xc1: {  	[dreg:$0x1] =	wrdreg $0xFFFFFFFF  }
0xc2: {  	_ =	task.clear_ibuf [dreg:s7], $0x2FFFF;
	_ =	strace $0x9FFFFFFF  }
0xc3: {  	(tm) =	ssettm $0x7FFFFFFF  }
tec
execute0_lowered:
.L_overlay_start_1:
0x0: {  	(tag) =	ssettag $0x1  }
0x1: {  	s1 =	rddreg [dreg:$0x0]  }
0x2: {  	s5 =	rddreg [dreg:$0x1];
	s0 =	stileid.u32  }
0x3: {  	s2 =	srdreg.scid;
	s3 =	rddreg [dreg:$0x2]  }
0x4: {  	s15 =	simm.s32 $0x5;
	s16 =	simm.s32 $0x80;
	s17 =	simm.s32 $0x200  }
0x5: {  	s18 =	simm.s32 $0x1;
	s19 =	simm.s32 $0x100;
	s20 =	simm.s32 $0x4200  }
0x6: {  	s21 =	simm.s32 $0x2;
	s22 =	simm.s32 $0x180;
	s4 =	smul.u32 $0x34, s0  }
0x7: {  	s23 =	simm.s32 $0x3;
	s24 =	simm.s32 $0x4;
	s7 =	smul.u32 $0x6A, s0  }
0x8: {  	s25 =	simm.s32 $0x0;
	s6 =	sand.u32 $0x1, s2;
	s26 =	smul.u32 $0x13C00, s0  }
0x9: {  	s2 =	rddreg [dreg:$0x3];
	s29 =	smul.u32 $0x4F000, s0;
	s31 =	sshll.u32 s0, $0x6  }
0xa: {  	p0 =	seq.s32 s6, $0x0;
	s9 =	smul.u32 $0x13C000, s6;
	s6 =	ssub.s32 $0x2, s6  }
0xb: {  	s8 =	sadd.s32 $0x6A0, s4;
	s4 =	simm.s32 $0x0;
	s28 =	sshrl.u32 s26, $0x3  }
0xc: {  	s10 =	sshrl.u32 s6, $0x1;
	s30 =	sshrl.u32 s29, $0x2;
	s8 =	smov.u32 @p0 s7  }
0xd: {  	[smem:$0x7FF] =	sst s4;
	s7 =	sadd.s32 s26, s9;
	s10 =	ssub.s32 s6, s10  }
0xe: {  	s14 =	sadd.s32 s30, s3;
	s8 =	sshll.u32 s8, $0x5;
	_ =	strace $0x8000004A  }
0xf: {  	s7 =	sshrl.u32 s7, $0x3;
	s10 =	smax.u32 s10, $0x1;
	s14 =	sshrl.u32 s14, $0x3  }
0x10: {  	s13 =	sadd.s32 s8, s5;
	s8 =	sadd.s32 s28, s5;
	s11 =	sadd.s32 s7, s5  }
0x11: {  	s5 =	simm.s32 $0x33;
	s7 =	sor.u32 $0x1C05, s31;
	s6 =	sadd.s32 $0x3000, s8  }
0x12: {  	s5 =	simm.s32 @!p0 $0x18;
	s8 =	sadd.s32 $0x79800, s13;
	s9 =	sadd.s32 $0x2A800, s11  }
0x13: {  	s11 =	sadd.s32 $0x79820, s13;
	s12 =	sadd.s32 $0x79840, s13;
	s13 =	sadd.s32 $0x79880, s13  }
.LBB2_1:
0x14: {  	[spmem:s14], [sflag:s7] =	dma.local [hbm:s6], $0x2780  }
0x15: {  	_ =	swait.ge [sflag:s15], $0x2780  }
0x16: {  	[sflag:s15] =	ssyncset.done $0x0  }
0x17: {  	[sflag:s15] =	ssyncadd.s32 $0xFFFFD880  }
0x18: {  	[bflag:$0x0] =	sbarrier.arrive $0xFFFF  }
0x19: {  	[tilespmem:s4], [sflag:$0x5] =	stream.linear.gather [hbm4b:s8+s4], $0x100, $0x38;
	[tilespmem:$0x1BE00] =	vst v63  }
0x1a: {  	_ =	swait.ge [sflag:s15], $0x100  }
0x1b: {  	[sflag:s15] =	ssyncset.done $0x0  }
0x1c: {  	[sflag:s15] =	ssyncadd.s32 $0xFFFFFF00  }
0x1d: {  	[tilespmem:s17], [sflag:$0x1] =	stream.indirect.gather [hbm4b:s1+s16], $0x80, s4, s16, $0xb8;
	[tilespmem:$0x1BE00] =	vst v63  }
0x1e: {  	_ =	swait.ge [sflag:s18], $0x4000  }
0x1f: {  	[sflag:s18] =	ssyncset.done $0x0  }
0x20: {  	[sflag:s18] =	ssyncadd.s32 $0xFFFFC000  }
0x21: {  	[spmem:s3] =	stream.indirect.scatter.add.f32 [tilespmem:s17], [sflag:$0x3], $0x80, s16, s16, $0xb8;
	[tilespmem:$0x1BE00] =	vst v63  }
0x22: {  	_ = 	snop  }
0x23: {  	[tilespmem:s19], [sflag:$0x5] =	stream.linear.gather [hbm4b:s11+s4], $0x100, $0x38;
	[tilespmem:$0x1BE00] =	vst v63  }
0x24: {  	_ =	swait.ge [sflag:s15], $0x100  }
0x25: {  	[sflag:s15] =	ssyncset.done $0x0  }
0x26: {  	[sflag:s15] =	ssyncadd.s32 $0xFFFFFF00  }
0x27: {  	[tilespmem:s20], [sflag:$0x2] =	stream.indirect.gather [hbm4b:s1+s16], $0x80, s19, s16, $0xb8;
	[tilespmem:$0x1BE00] =	vst v63  }
0x28: {  	_ =	swait.ge [sflag:s21], $0x4000  }
0x29: {  	[sflag:s21] =	ssyncset.done $0x0  }
0x2a: {  	[sflag:s21] =	ssyncadd.s32 $0xFFFFC000  }
0x2b: {  	[spmem:s3] =	stream.indirect.scatter.add.f32 [tilespmem:s20], [sflag:$0x4], $0x80, s22, s16, $0xb8;
	[tilespmem:$0x1BE00] =	vst v63  }
0x2c: {  	_ =	swait.ge [sflag:s23], $0x4000  }
0x2d: {  	[sflag:s23] =	ssyncset.done $0x0  }
0x2e: {  	[sflag:s23] =	ssyncadd.s32 $0xFFFFC000  }
0x2f: {  	[tilespmem:s4], [sflag:$0x5] =	stream.linear.gather [hbm4b:s12+s4], $0x100, $0x38;
	[tilespmem:$0x1BE00] =	vst v63  }
0x30: {  	_ =	swait.ge [sflag:s15], $0x100  }
0x31: {  	[sflag:s15] =	ssyncset.done $0x0  }
0x32: {  	[sflag:s15] =	ssyncadd.s32 $0xFFFFFF00  }
0x33: {  	[tilespmem:s17], [sflag:$0x1] =	stream.indirect.gather [hbm4b:s1+s16], $0x80, s4, s16, $0xb8;
	[tilespmem:$0x1BE00] =	vst v63  }
0x34: {  	_ =	swait.ge [sflag:s18], $0x4000  }
0x35: {  	[sflag:s18] =	ssyncset.done $0x0  }
0x36: {  	[sflag:s18] =	ssyncadd.s32 $0xFFFFC000  }
0x37: {  	[spmem:s3] =	stream.indirect.scatter.add.f32 [tilespmem:s17], [sflag:$0x3], $0x80, s16, s16, $0xb8;
	[tilespmem:$0x1BE00] =	vst v63  }
0x38: {  	_ =	swait.ge [sflag:s24], $0x4000  }
0x39: {  	[sflag:s24] =	ssyncset.done $0x0  }
0x3a: {  	s26 =	sadd.s32 $0xFFFFFFE0, s13;
	[sflag:s24] =	ssyncadd.s32 $0xFFFFC000  }
0x3b: {  	[tilespmem:s19], [sflag:$0x5] =	stream.linear.gather [hbm4b:s26+s4], $0x100, $0x38;
	[tilespmem:$0x1BE00] =	vst v63  }
0x3c: {  	_ =	swait.ge [sflag:s15], $0x100  }
0x3d: {  	[sflag:s15] =	ssyncset.done $0x0  }
0x3e: {  	[sflag:s15] =	ssyncadd.s32 $0xFFFFFF00  }
0x3f: {  	[tilespmem:s20], [sflag:$0x2] =	stream.indirect.gather [hbm4b:s1+s16], $0x80, s19, s16, $0xb8;
	[tilespmem:$0x1BE00] =	vst v63  }
0x40: {  	_ =	swait.ge [sflag:s21], $0x4000  }
0x41: {  	[sflag:s21] =	ssyncset.done $0x0  }
0x42: {  	[sflag:s21] =	ssyncadd.s32 $0xFFFFC000  }
0x43: {  	[spmem:s3] =	stream.indirect.scatter.add.f32 [tilespmem:s20], [sflag:$0x4], $0x80, s22, s16, $0xb8;
	[tilespmem:$0x1BE00] =	vst v63  }
0x44: {  	_ =	swait.ge [sflag:s23], $0x4000  }
0x45: {  	p0 =	sne.s32 s5, $0x1;
	[sflag:s23] =	ssyncset.done $0x0  }
.Ltmp0:
0x46: {  	[sflag:s23] =	ssyncadd.s32 $0xFFFFC000;
	(pc) =	sbr.rel @!p0 .LBB2_3-.Ltmp0, $4  }
0x47: {  	[tilespmem:s4], [sflag:$0x5] =	stream.linear.gather [hbm4b:s13+s4], $0x100, $0x38;
	[tilespmem:$0x1BE00] =	vst v63  }
0x48: {  	_ =	swait.ge [sflag:s15], $0x100  }
0x49: {  	[sflag:s15] =	ssyncset.done $0x0  }
0x4a: {  	s28 =	simm.s32 $0x1;
	s26 =	sadd.s32 $0x40, s13;
	[sflag:s15] =	ssyncadd.s32 $0xFFFFFF00  }
.LBB2_2:
0x4b: {  	[tilespmem:s17], [sflag:$0x1] =	stream.indirect.gather [hbm4b:s1+s16], $0x80, s4, s16, $0xb8;
	[tilespmem:$0x1BE00] =	vst v63  }
0x4c: {  	s28 =	sadd.s32 $0x1, s28;
	_ =	swait.ge [sflag:s18], $0x4000  }
0x4d: {  	p0 =	sne.s32 s5, s28;
	[sflag:s18] =	ssyncset.done $0x0  }
0x4e: {  	[sflag:s18] =	ssyncadd.s32 $0xFFFFC000  }
0x4f: {  	[spmem:s3] =	stream.indirect.scatter.add.f32 [tilespmem:s17], [sflag:$0x3], $0x80, s16, s16, $0xb8;
	[tilespmem:$0x1BE00] =	vst v63  }
0x50: {  	_ =	swait.ge [sflag:s24], $0x4000  }
0x51: {  	[sflag:s24] =	ssyncset.done $0x0  }
0x52: {  	s29 =	sadd.s32 $0xFFFFFFE0, s26;
	[sflag:s24] =	ssyncadd.s32 $0xFFFFC000  }
0x53: {  	[tilespmem:s19], [sflag:$0x5] =	stream.linear.gather [hbm4b:s29+s4], $0x100, $0x38;
	[tilespmem:$0x1BE00] =	vst v63  }
0x54: {  	_ =	swait.ge [sflag:s15], $0x100  }
0x55: {  	[sflag:s15] =	ssyncset.done $0x0  }
0x56: {  	[sflag:s15] =	ssyncadd.s32 $0xFFFFFF00  }
0x57: {  	[tilespmem:s20], [sflag:$0x2] =	stream.indirect.gather [hbm4b:s1+s16], $0x80, s19, s16, $0xb8;
	[tilespmem:$0x1BE00] =	vst v63  }
0x58: {  	_ =	swait.ge [sflag:s21], $0x4000  }
0x59: {  	[sflag:s21] =	ssyncset.done $0x0  }
0x5a: {  	[sflag:s21] =	ssyncadd.s32 $0xFFFFC000  }
0x5b: {  	[spmem:s3] =	stream.indirect.scatter.add.f32 [tilespmem:s20], [sflag:$0x4], $0x80, s22, s16, $0xb8;
	[tilespmem:$0x1BE00] =	vst v63  }
0x5c: {  	_ =	swait.ge [sflag:s23], $0x4000  }
0x5d: {  	[sflag:s23] =	ssyncset.done $0x0  }
.Ltmp1:
0x5e: {  	[sflag:s23] =	ssyncadd.s32 $0xFFFFC000;
	(pc) =	sbr.rel @p0 .LBB2_2-.Ltmp1, $4  }
0x5f: {  	[tilespmem:s4], [sflag:$0x5] =	stream.linear.gather [hbm4b:s26+s4], $0x100, $0x38;
	[tilespmem:$0x1BE00] =	vst v63  }
0x60: {  	_ =	swait.ge [sflag:s15], $0x100  }
0x61: {  	[sflag:s15] =	ssyncset.done $0x0  }
0x62: {  	s26 =	sadd.s32 $0x40, s26;
	[sflag:s15] =	ssyncadd.s32 $0xFFFFFF00  }
.LBB2_3:
0x63: {  	[tilespmem:s17], [sflag:$0x1] =	stream.indirect.gather [hbm4b:s1+s16], $0x80, s4, s16, $0xb8;
	[tilespmem:$0x1BE00] =	vst v63  }
0x64: {  	_ =	swait.ge [sflag:s18], $0x4000  }
0x65: {  	[sflag:s18] =	ssyncset.done $0x0  }
0x66: {  	[sflag:s18] =	ssyncadd.s32 $0xFFFFC000  }
0x67: {  	[spmem:s3] =	stream.indirect.scatter.add.f32 [tilespmem:s17], [sflag:$0x3], $0x80, s16, s16, $0xb8;
	[tilespmem:$0x1BE00] =	vst v63  }
0x68: {  	_ =	swait.ge [sflag:s24], $0x4000  }
0x69: {  	[sflag:s24] =	ssyncset.done $0x0  }
0x6a: {  	s29 =	sadd.s32 $0xFFFFFFE0, s26;
	[sflag:s24] =	ssyncadd.s32 $0xFFFFC000  }
0x6b: {  	[tilespmem:s19], [sflag:$0x5] =	stream.linear.gather [hbm4b:s29+s4], $0x100, $0x38;
	[tilespmem:$0x1BE00] =	vst v63  }
0x6c: {  	_ =	swait.ge [sflag:s15], $0x100  }
0x6d: {  	[sflag:s15] =	ssyncset.done $0x0  }
0x6e: {  	[sflag:s15] =	ssyncadd.s32 $0xFFFFFF00  }
0x6f: {  	[tilespmem:s20], [sflag:$0x2] =	stream.indirect.gather [hbm4b:s1+s16], $0x80, s19, s16, $0xb8;
	[tilespmem:$0x1BE00] =	vst v63  }
0x70: {  	_ =	swait.ge [sflag:s21], $0x4000  }
0x71: {  	[sflag:s21] =	ssyncset.done $0x0  }
0x72: {  	[sflag:s21] =	ssyncadd.s32 $0xFFFFC000  }
0x73: {  	[spmem:s3] =	stream.indirect.scatter.add.f32 [tilespmem:s20], [sflag:$0x4], $0x80, s22, s16, $0xb8;
	[tilespmem:$0x1BE00] =	vst v63  }
0x74: {  	_ =	swait.ge [sflag:s23], $0x4000  }
0x75: {  	p0 =	sge.u32 s28, s5;
	[sflag:s23] =	ssyncset.done $0x0  }
0x76: {  	s28 =	simm.s32 @!p0 $0x0;
	[sflag:s23] =	ssyncadd.s32 $0xFFFFC000  }
0x77: {  	[tilespmem:s28], [sflag:$0x5] =	stream.linear.gather @!p0 [hbm4b:s26+s28], $0x100, $0x38;
	[tilespmem:$0x1BE00] =	vst v63  }
0x78: {  	s26 =	simm.s32 @!p0 $0x5  }
0x79: {  	_ =	swait.ge @!p0 [sflag:s26], $0x100  }
0x7a: {  	[sflag:s26] =	ssyncset.done @!p0 $0x0  }
0x7b: {  	s29 =	simm.s32 @!p0 $0x200;
	[sflag:s26] =	ssyncadd.s32 @!p0 $0xFFFFFF00;
	s26 =	simm.s32 @!p0 $0x80  }
0x7c: {  	[tilespmem:s29], [sflag:$0x1] =	stream.indirect.gather @!p0 [hbm4b:s1+s26], $0x80, s28, s26, $0xb8;
	[tilespmem:$0x1BE00] =	vst v63  }
0x7d: {  	_ =	swait.ge [sflag:s24], $0x4000  }
0x7e: {  	s25 =	sadd.s32 $0x1, s25;
	[sflag:s24] =	ssyncset.done $0x0  }
0x7f: {  	p0 =	sne.s32 s25, s10;
	[sflag:s24] =	ssyncadd.s32 $0xFFFFC000  }
.Ltmp2:
0x80: {  	[bflag:$0x0] =	sbarrier.arrive $0xFFFF;
	(pc) =	sbr.rel @p0 .LBB2_1-.Ltmp2, $4  }
0x81: {  	[hbm:s9], [sflag:s7] =	dma.local [spmem:s14], $0x2780  }
0x82: {  	_ =	swait.ge [sflag:s15], $0x2780  }
0x83: {  	[sflag:s15] =	ssyncset.done $0x0  }
0x84: {  	[sflag:s15] =	ssyncadd.s32 $0xFFFFD880  }
0x85: {  	_ =	sfence.sel $0x180000  }
0x86: {  	[bflag:$0x0] =	sbarrier.arrive $0xFFFF  }
0x87: {  	p0 =	sne.s32 s0, $0x0;
	_ =	strace $0x9000004A  }
0x88: {  	s0 =	sadd.s32 @!p0 $0x100000, s2;
	[bflag:$0x2] =	sbarrier.arrive $0xFFFF  }
0x89: {  	[sflag:s0] =	ssyncadd.tile.s32 @!p0 $0x1;
	_ =	shalt  }
.Lfunc_end2:
_tile_overlayer_lowered:
.L_overlay_start_2:
0x8a: {  	(tag) =	ssettag $0x2  }
0x8b: {  	s0 =	rddreg [dreg:$0x0];
	s2 =	stileid.u32  }
0x8c: {  	s1 =	rddreg [dreg:$0x1];
	p0 =	sne.s32 s2, $0x0  }
0x8d: {  	s3 =	rddreg [dreg:$0x2];
	[bflag:$0x3] =	sbarrier.arrive $0xFFFF;
	s2 =	simm.s32 @!p0 $0x1C05  }
0x8e: {  	[timem:s3], [sflag:s2] =	dma.local @!p0 [hbm:s0], s1  }
0x8f: {  	s0 =	simm.s32 @!p0 $0x5  }
0x90: {  	_ =	swait.ge @!p0 [sflag:s0], s1  }
0x91: {  	s1 =	ssub.s32 @!p0 $0x0, s1;
	[sflag:s0] =	ssyncset.done @!p0 $0x0  }
0x92: {  	[sflag:s0] =	ssyncadd.s32 @!p0 s1  }
0x93: {  	[bflag:$0x3] =	sbarrier.arrive $0xFFFF  }
0x94: {  	_ =	shalt  }

// kernel: kernel.14.cloned.1.call-start
scs
__scs_entry_jumppad:
0x0: {  	(pc) =	sbr.rel $0x88, $3  }
0x1: {  	(tag) =	ssettag $0x0;
	lr =	simm.s32 $0x1  }
0x2: {  	[smem:$0x3F9B] =	sst lr;
	_ =	strace $0xD0000000  }
0x3: {  	_ = 	snop  }
0x4: {  	_ = 	snop  }
0x5: {  	_ = 	snop  }
0x6: {  	_ = 	snop  }
0x7: {  	_ = 	snop  }
__scs_overlays_trampoline_lowered:
0x8: {  	[smem:$0x3FAA] =	sst s0  }
0x9: {  	[smem:$0x3FAB] =	sst s1  }
0xa: {  	[smem:$0x3FAC] =	sst s2  }
0xb: {  	[smem:$0x3FAD] =	sst s3  }
0xc: {  	[smem:$0x3FAE] =	sst s4  }
0xd: {  	[smem:$0x3FAF] =	sst s5  }
0xe: {  	[smem:$0x3FB0] =	sst s6  }
0xf: {  	[smem:$0x3FB1] =	sst s7  }
0x10: {  	[smem:$0x3FB2] =	sst s8  }
0x11: {  	[smem:$0x3FB3] =	sst s9;
	s0 =	simm.s32 @!p0 $0x0  }
0x12: {  	s1 =	sld [smem:$0x3F99];
	s0 =	simm.s32 @p0 $0x1  }
0x13: {  	[smem:$0x3FB4] =	sst s0;
	s0 =	simm.s32 @!p1 $0x0  }
0x14: {  	s2 =	sld [smem:$0x3F98];
	s0 =	simm.s32 @p1 $0x1  }
0x15: {  	[smem:$0x3FB5] =	sst s0;
	s0 =	simm.s32 @!p2 $0x0  }
0x16: {  	s3 =	sld [smem:$0x3FDB];
	s0 =	simm.s32 @p2 $0x1  }
0x17: {  	s4 =	simm.s32 $0x1BF5;
	[smem:$0x3FB7] =	sst s0  }
0x18: {  	s0 =	sld [smem:$0x3F9A];
	_ =	swait.ge [sflag:s4], $0x0  }
0x19: {  	s7 =	sld [smem:$0x3F9B]  }
0x1a: {  	s8 =	sadd.s32 $0xFFFFE003, lr  }
0x1b: {  	s9 =	sadd.s32 $0xFFFFFEF7, lr;
	s5 =	simm.s32 $0xFFFFFFFF;
	p2 =	slt.u32 s8, $0xFFFFF086  }
0x1c: {  	p1 =	slt.u32 s9, $0xF7A;
	s5 =	simm.s32 @!p2 $0x0  }
0x1d: {  	s5 =	simm.s32 @p1 $0x1;
	p0 =	seq.s32 s7, s2  }
0x1e: {  	s7 =	smul.u32 @!p0 $0xF7A, s2;
	p2 =	seq.s32 @!p0 s5, $0x0  }
0x1f: {  	s9 =	smul.u32 $0xF7A, s1;
	s8 =	simm.s32 @!p0 $0x1BF5;
	p2 =	por !p2, p0  }
0x20: {  	[sflag:s8] =	ssyncset.s32 @!p0 $0xFFFFF086;
	s6 =	sadd.s32 @!p0 s3, s7;
	s7 =	simm.s32 @!p0 $0x108  }
0x21: {  	s3 =	sadd.s32 s3, s9;
	s6 =	sadd.s32 @!p0 $0x88, s6;
	s7 =	simm.s32 @p2 $0x1082  }
0x22: {  	[simem:s7], [sflag:s8] =	dma.local @!p0 [hbm:s6], $0xF7A  }
0x23: {  	s9 =	sor.u32 $0xD0000000, s2;
	s6 =	simm.s32 $0x108;
	_ =	swait.ge @!p0 [sflag:s8], $0x0  }
0x24: {  	s3 =	sadd.s32 $0x88, s3;
	s6 =	simm.s32 @!p1 $0x1082;
	[sflag:s4] =	ssyncset.s32 $0xFFFFF086  }
0x25: {  	[simem:s6], [sflag:s4] =	dma.local [hbm:s3], $0xF7A  }
0x26: {  	[smem:$0x3F9B] =	sst s1;
	(tag) =	ssettag s2;
	_ =	strace s9  }
0x27: {  	s1 =	sld [smem:$0x3FAB]  }
0x28: {  	s2 =	sld [smem:$0x3FAC]  }
0x29: {  	s4 =	sld [smem:$0x3FAE]  }
0x2a: {  	p0 =	seq.s32 s5, $0x0;
	s5 =	sld [smem:$0x3FAF]  }
0x2b: {  	s6 =	sld [smem:$0x3FB0]  }
0x2c: {  	s7 =	sld [smem:$0x3FB1]  }
0x2d: {  	s3 =	simm.s32 $0x108;
	s8 =	sld [smem:$0x3FB2]  }
0x2e: {  	s3 =	simm.s32 @!p0 $0x1082;
	s9 =	sld [smem:$0x3FB3]  }
0x2f: {  	lr =	sadd.s32 s0, s3;
	s0 =	sld [smem:$0x3FAA]  }
0x30: {  	s3 =	sld [smem:$0x3FAD]  }
0x31: {  	[smem:$0x3FB6] =	sst s10  }
0x32: {  	s10 =	sld [smem:$0x3FB4];
	_ =	sdelay $0x3  }
0x33: {  	p0 =	seq.s32 s10, $0x1;
	s10 =	sld [smem:$0x3FB6];
	_ =	sdelay $0x3  }
0x34: {  	[smem:$0x3FB6] =	sst s10  }
0x35: {  	s10 =	sld [smem:$0x3FB5];
	_ =	sdelay $0x3  }
0x36: {  	p1 =	seq.s32 s10, $0x1;
	s10 =	sld [smem:$0x3FB6];
	_ =	sdelay $0x3  }
0x37: {  	[smem:$0x3FB6] =	sst s10  }
0x38: {  	s10 =	sld [smem:$0x3FB7]  }
0x39: {  	_ = 	snop;
	(pc) =	sbr.ind lr, $3  }
0x3a: {  	_ = 	snop  }
0x3b: {  	_ = 	snop  }
0x3c: {  	p2 =	seq.s32 s10, $0x1;
	s10 =	sld [smem:$0x3FB6]  }
0x3d: {  	_ =	shalt  }
0x3e: {  	_ =	shalt  }
0x3f: {  	_ =	shalt  }
0x40: {  	_ =	shalt  }
0x41: {  	_ =	shalt  }
0x42: {  	_ =	shalt  }
0x43: {  	_ =	shalt  }
0x44: {  	_ =	shalt  }
0x45: {  	_ =	shalt  }
0x46: {  	_ =	shalt  }
0x47: {  	_ =	shalt  }
0x48: {  	_ =	shalt  }
0x49: {  	_ =	shalt  }
0x4a: {  	_ =	shalt  }
0x4b: {  	_ =	shalt  }
0x4c: {  	_ =	shalt  }
0x4d: {  	_ =	shalt  }
0x4e: {  	_ =	shalt  }
0x4f: {  	_ =	shalt  }
0x50: {  	_ =	shalt  }
0x51: {  	_ =	shalt  }
0x52: {  	_ =	shalt  }
0x53: {  	_ =	shalt  }
0x54: {  	_ =	shalt  }
0x55: {  	_ =	shalt  }
0x56: {  	_ =	shalt  }
0x57: {  	_ =	shalt  }
0x58: {  	_ =	shalt  }
0x59: {  	_ =	shalt  }
0x5a: {  	_ =	shalt  }
0x5b: {  	_ =	shalt  }
0x5c: {  	_ =	shalt  }
0x5d: {  	_ =	shalt  }
0x5e: {  	_ =	shalt  }
0x5f: {  	_ =	shalt  }
0x60: {  	_ =	shalt  }
0x61: {  	_ =	shalt  }
0x62: {  	_ =	shalt  }
0x63: {  	_ =	shalt  }
0x64: {  	_ =	shalt  }
0x65: {  	_ =	shalt  }
0x66: {  	_ =	shalt  }
0x67: {  	_ =	shalt  }
0x68: {  	_ =	shalt  }
0x69: {  	_ =	shalt  }
0x6a: {  	_ =	shalt  }
0x6b: {  	_ =	shalt  }
0x6c: {  	_ =	shalt  }
0x6d: {  	_ =	shalt  }
0x6e: {  	_ =	shalt  }
0x6f: {  	_ =	shalt  }
0x70: {  	_ =	shalt  }
0x71: {  	_ =	shalt  }
0x72: {  	_ =	shalt  }
0x73: {  	_ =	shalt  }
0x74: {  	_ =	shalt  }
0x75: {  	_ =	shalt  }
0x76: {  	_ =	shalt  }
0x77: {  	_ =	shalt  }
0x78: {  	_ =	shalt  }
0x79: {  	_ =	shalt  }
0x7a: {  	_ =	shalt  }
0x7b: {  	_ =	shalt  }
0x7c: {  	_ =	shalt  }
0x7d: {  	_ =	shalt  }
0x7e: {  	_ =	shalt  }
0x7f: {  	_ =	shalt  }
0x80: {  	_ =	shalt  }
0x81: {  	_ =	shalt  }
0x82: {  	_ =	shalt  }
0x83: {  	_ =	shalt  }
0x84: {  	_ =	shalt  }
0x85: {  	_ =	shalt  }
0x86: {  	_ =	shalt  }
0x87: {  	_ =	shalt  }
.Lfunc_end0:
.L_simem_size_0:
called_computation.2_lowered:
.L_overlay_start_0:
0x88: {  	s2 =	sld [smem:$0x3FD9]  }
0x89: {  	s3 =	sld [smem:$0x3FFE];
	_ =	sdelay $0x1  }
0x8a: {  	s1 =	srdreg.scid  }
0x8b: {  	s0 =	sand.u32 $0x1, s1  }
0x8c: {  	s17 =	sshll.u32 s0, $0xA;
	s2 =	sadd.s32 s3, s2  }
0x8d: {  	s2 =	sadd.s32 s2, s17  }
0x8e: {  	[smem:$0x3FC2] =	sst s2  }
0x8f: {  	_ = 	snop  }
0x90: {  	s2 =	sld [smem:$0x3FD0];
	(tm) =	ssettm $0x1  }
0x91: {  	s18 =	sld [smem:$0x3FFB];
	_ =	sdelay $0x3  }
0x92: {  	_ =	strace s18  }
0x93: {  	s3 =	sld [smem:$0x3FFC];
	_ =	sdelay $0x3  }
0x94: {  	_ =	strace s3  }
0x95: {  	s3 =	sld [smem:$0x3FFD];
	_ =	sdelay $0x3  }
0x96: {  	_ =	strace s3  }
0x97: {  	_ =	strace $0x8FFFFFFF  }
0x98: {  	s19 =	sld [smem:$0x3FDB];
	_ =	sdelay $0x1  }
0x99: {  	s4 =	simm.s32 $_scs_section_size  }
0x9a: {  	s5 =	simm.s32 $_size__tile_overlayer_lowered;
	s6 =	simm.s32 $_tile_overlayer_lowered  }
0x9b: {  	s22 =	simm.s32 $0x1BFF;
	s21 =	sshll.u32 s6, $0x1;
	s3 =	sadd.s32 s4, s19  }
0x9c: {  	s7 =	simm.s32 $0x0;
	s20 =	sshll.u32 s5, $0x1;
	s5 =	sadd.s32 s21, s3  }
0x9d: {  	[timem:s7], [sflag:s22] =	dma.local [hbm:s5], s20  }
0x9e: {  	_ =	swait.ge [sflag:s22], s20  }
0x9f: {  	s4 =	ssub.s32 $0x0, s20;
	[sflag:s22] =	ssyncset.done $0x0  }
0xa0: {  	[sflag:s22] =	ssyncadd.s32 s4;
	_ =	sdelay $0x1  }
0xa1: {  	s23 =	simm.s32 $0x1B8B  }
0xa2: {  	_ =	swait.ge [sflag:s23], $0x1  }
0xa3: {  	[sflag:s23] =	ssyncset.done $0x0  }
0xa4: {  	s25 =	simm.s32 $0x1B8E;
	s24 =	sld [smem:$0x3FFE];
	[sflag:s23] =	ssyncadd.s32 $0xFFFFFFFF  }
0xa5: {  	s26 =	simm.s32 $execute0_lowered;
	[smem:$0x3FD2] =	sst s25  }
0xa6: {  	s5 =	sshll.u32 s26, $0x1;
	_ =	strace $0x8000004C;
	[dreg:$0x1] =	wrdreg $0xFFFFFFFF  }
0xa7: {  	s28 =	simm.s32 $_size_execute0_lowered;
	s3 =	sadd.s32 s3, s5;
	[dreg:$0x0] =	wrdreg $0x0  }
0xa8: {  	s5 =	sshll.u32 s28, $0x1;
	[dreg:$0x2] =	wrdreg s3  }
0xa9: {  	[dreg:$0x3] =	wrdreg s5  }
0xaa: {  	[dreg:$0x4] =	wrdreg $0xC0  }
0xab: {  	_ =	task [dreg:s7], $0x5FFFF  }
0xac: {  	[dreg:$0x1] =	wrdreg $0xFFFFFFFF  }
0xad: {  	[dreg:$0x0] =	wrdreg $0x60  }
0xae: {  	[dreg:$0x2] =	wrdreg s2  }
0xaf: {  	[dreg:$0x3] =	wrdreg s24  }
0xb0: {  	[dreg:$0x4] =	wrdreg $0x82000  }
0xb1: {  	[dreg:$0x5] =	wrdreg $0x9  }
0xb2: {  	_ =	task.clear_ibuf [dreg:s7], $0x6FFFF;
	_ =	strace $0x9000004C  }
0xb3: {  	s29 =	simm.s32 $0x9;
	_ =	strace $0x8000004E  }
0xb4: {  	_ =	swait.ge [sflag:s29], $0x1  }
0xb5: {  	[sflag:s29] =	ssyncadd.s32 $0xFFFFFFFF  }
0xb6: {  	_ =	strace $0x9000004E  }
0xb7: {  	_ =	sfence  }
0xb8: {  	s30 =	sld [smem:$0x0];
	_ =	sdelay $0x2  }
0xb9: {  	s31 =	sshll.u32 s1, $0xD;
	s1 =	sshrl.u32 s1, $0x2  }
0xba: {  	s3 =	sand.u32 $0x4000, s31;
	s1 =	sadd.s32 s1, s30  }
0xbb: {  	s0 =	sor.u32 s3, s0;
	s1 =	sshll.u32 s1, $0x11  }
0xbc: {  	s0 =	sor.u32 s1, s0  }
0xbd: {  	s0 =	sadd.s32 $0x8F2B, s0  }
0xbe: {  	[sflag:s0] =	ssyncadd.remote.s32 $0x1  }
0xbf: {  	_ =	sfence.sel $0xFFFF  }
0xc0: {  	[dreg:$0x0] =	wrdreg $0xFFFFFFFF;
	(pc) =	sbr.abs _section_cstart, $3  }
0xc1: {  	[dreg:$0x1] =	wrdreg $0xFFFFFFFF  }
0xc2: {  	_ =	task.clear_ibuf [dreg:s7], $0x2FFFF;
	_ =	strace $0x9FFFFFFF  }
0xc3: {  	(tm) =	ssettm $0x7FFFFFFF  }
tec
execute0_lowered:
.L_overlay_start_1:
0x0: {  	(tag) =	ssettag $0x1  }
0x1: {  	s1 =	rddreg [dreg:$0x0]  }
0x2: {  	s5 =	rddreg [dreg:$0x1];
	s0 =	stileid.u32  }
0x3: {  	s2 =	srdreg.scid;
	s3 =	rddreg [dreg:$0x2]  }
0x4: {  	s15 =	simm.s32 $0x5;
	s16 =	simm.s32 $0x80;
	s17 =	simm.s32 $0x200  }
0x5: {  	s18 =	simm.s32 $0x1;
	s19 =	simm.s32 $0x100;
	s20 =	simm.s32 $0x4200  }
0x6: {  	s21 =	simm.s32 $0x2;
	s22 =	simm.s32 $0x180;
	s4 =	smul.u32 $0x34, s0  }
0x7: {  	s23 =	simm.s32 $0x3;
	s24 =	simm.s32 $0x4;
	s7 =	smul.u32 $0x6A, s0  }
0x8: {  	s25 =	simm.s32 $0x0;
	s6 =	sand.u32 $0x1, s2;
	s26 =	smul.u32 $0x13C00, s0  }
0x9: {  	s2 =	rddreg [dreg:$0x3];
	s29 =	smul.u32 $0x4F000, s0;
	s31 =	sshll.u32 s0, $0x6  }
0xa: {  	p0 =	seq.s32 s6, $0x0;
	s9 =	smul.u32 $0x13C000, s6;
	s6 =	ssub.s32 $0x2, s6  }
0xb: {  	s8 =	sadd.s32 $0x6A0, s4;
	s4 =	simm.s32 $0x0;
	s28 =	sshrl.u32 s26, $0x3  }
0xc: {  	s10 =	sshrl.u32 s6, $0x1;
	s30 =	sshrl.u32 s29, $0x2;
	s8 =	smov.u32 @p0 s7  }
0xd: {  	[smem:$0x7FF] =	sst s4;
	s7 =	sadd.s32 s26, s9;
	s10 =	ssub.s32 s6, s10  }
0xe: {  	s14 =	sadd.s32 s30, s3;
	s8 =	sshll.u32 s8, $0x5;
	_ =	strace $0x8000004D  }
0xf: {  	s7 =	sshrl.u32 s7, $0x3;
	s10 =	smax.u32 s10, $0x1;
	s14 =	sshrl.u32 s14, $0x3  }
0x10: {  	s13 =	sadd.s32 s8, s5;
	s8 =	sadd.s32 s28, s5;
	s11 =	sadd.s32 s7, s5  }
0x11: {  	s5 =	simm.s32 $0x33;
	s7 =	sor.u32 $0x1C05, s31;
	s6 =	sadd.s32 $0x3000, s8  }
0x12: {  	s5 =	simm.s32 @!p0 $0x18;
	s8 =	sadd.s32 $0x79800, s13;
	s9 =	sadd.s32 $0x2A800, s11  }
0x13: {  	s11 =	sadd.s32 $0x79820, s13;
	s12 =	sadd.s32 $0x79840, s13;
	s13 =	sadd.s32 $0x79880, s13  }
.LBB2_1:
0x14: {  	[spmem:s14], [sflag:s7] =	dma.local [hbm:s6], $0x2780  }
0x15: {  	_ =	swait.ge [sflag:s15], $0x2780  }
0x16: {  	[sflag:s15] =	ssyncset.done $0x0  }
0x17: {  	[sflag:s15] =	ssyncadd.s32 $0xFFFFD880  }
0x18: {  	[bflag:$0x0] =	sbarrier.arrive $0xFFFF  }
0x19: {  	[tilespmem:s4], [sflag:$0x5] =	stream.linear.gather [hbm4b:s8+s4], $0x100, $0x38;
	[tilespmem:$0x1BE00] =	vst v63  }
0x1a: {  	_ =	swait.ge [sflag:s15], $0x100  }
0x1b: {  	[sflag:s15] =	ssyncset.done $0x0  }
0x1c: {  	[sflag:s15] =	ssyncadd.s32 $0xFFFFFF00  }
0x1d: {  	[tilespmem:s17], [sflag:$0x1] =	stream.indirect.gather [hbm4b:s1+s16], $0x80, s4, s16, $0xb8;
	[tilespmem:$0x1BE00] =	vst v63  }
0x1e: {  	_ =	swait.ge [sflag:s18], $0x4000  }
0x1f: {  	[sflag:s18] =	ssyncset.done $0x0  }
0x20: {  	[sflag:s18] =	ssyncadd.s32 $0xFFFFC000  }
0x21: {  	[spmem:s3] =	stream.indirect.scatter.add.f32 [tilespmem:s17], [sflag:$0x3], $0x80, s16, s16, $0xb8;
	[tilespmem:$0x1BE00] =	vst v63  }
0x22: {  	_ = 	snop  }
0x23: {  	[tilespmem:s19], [sflag:$0x5] =	stream.linear.gather [hbm4b:s11+s4], $0x100, $0x38;
	[tilespmem:$0x1BE00] =	vst v63  }
0x24: {  	_ =	swait.ge [sflag:s15], $0x100  }
0x25: {  	[sflag:s15] =	ssyncset.done $0x0  }
0x26: {  	[sflag:s15] =	ssyncadd.s32 $0xFFFFFF00  }
0x27: {  	[tilespmem:s20], [sflag:$0x2] =	stream.indirect.gather [hbm4b:s1+s16], $0x80, s19, s16, $0xb8;
	[tilespmem:$0x1BE00] =	vst v63  }
0x28: {  	_ =	swait.ge [sflag:s21], $0x4000  }
0x29: {  	[sflag:s21] =	ssyncset.done $0x0  }
0x2a: {  	[sflag:s21] =	ssyncadd.s32 $0xFFFFC000  }
0x2b: {  	[spmem:s3] =	stream.indirect.scatter.add.f32 [tilespmem:s20], [sflag:$0x4], $0x80, s22, s16, $0xb8;
	[tilespmem:$0x1BE00] =	vst v63  }
0x2c: {  	_ =	swait.ge [sflag:s23], $0x4000  }
0x2d: {  	[sflag:s23] =	ssyncset.done $0x0  }
0x2e: {  	[sflag:s23] =	ssyncadd.s32 $0xFFFFC000  }
0x2f: {  	[tilespmem:s4], [sflag:$0x5] =	stream.linear.gather [hbm4b:s12+s4], $0x100, $0x38;
	[tilespmem:$0x1BE00] =	vst v63  }
0x30: {  	_ =	swait.ge [sflag:s15], $0x100  }
0x31: {  	[sflag:s15] =	ssyncset.done $0x0  }
0x32: {  	[sflag:s15] =	ssyncadd.s32 $0xFFFFFF00  }
0x33: {  	[tilespmem:s17], [sflag:$0x1] =	stream.indirect.gather [hbm4b:s1+s16], $0x80, s4, s16, $0xb8;
	[tilespmem:$0x1BE00] =	vst v63  }
0x34: {  	_ =	swait.ge [sflag:s18], $0x4000  }
0x35: {  	[sflag:s18] =	ssyncset.done $0x0  }
0x36: {  	[sflag:s18] =	ssyncadd.s32 $0xFFFFC000  }
0x37: {  	[spmem:s3] =	stream.indirect.scatter.add.f32 [tilespmem:s17], [sflag:$0x3], $0x80, s16, s16, $0xb8;
	[tilespmem:$0x1BE00] =	vst v63  }
0x38: {  	_ =	swait.ge [sflag:s24], $0x4000  }
0x39: {  	[sflag:s24] =	ssyncset.done $0x0  }
0x3a: {  	s26 =	sadd.s32 $0xFFFFFFE0, s13;
	[sflag:s24] =	ssyncadd.s32 $0xFFFFC000  }
0x3b: {  	[tilespmem:s19], [sflag:$0x5] =	stream.linear.gather [hbm4b:s26+s4], $0x100, $0x38;
	[tilespmem:$0x1BE00] =	vst v63  }
0x3c: {  	_ =	swait.ge [sflag:s15], $0x100  }
0x3d: {  	[sflag:s15] =	ssyncset.done $0x0  }
0x3e: {  	[sflag:s15] =	ssyncadd.s32 $0xFFFFFF00  }
0x3f: {  	[tilespmem:s20], [sflag:$0x2] =	stream.indirect.gather [hbm4b:s1+s16], $0x80, s19, s16, $0xb8;
	[tilespmem:$0x1BE00] =	vst v63  }
0x40: {  	_ =	swait.ge [sflag:s21], $0x4000  }
0x41: {  	[sflag:s21] =	ssyncset.done $0x0  }
0x42: {  	[sflag:s21] =	ssyncadd.s32 $0xFFFFC000  }
0x43: {  	[spmem:s3] =	stream.indirect.scatter.add.f32 [tilespmem:s20], [sflag:$0x4], $0x80, s22, s16, $0xb8;
	[tilespmem:$0x1BE00] =	vst v63  }
0x44: {  	_ =	swait.ge [sflag:s23], $0x4000  }
0x45: {  	p0 =	sne.s32 s5, $0x1;
	[sflag:s23] =	ssyncset.done $0x0  }
.Ltmp0:
0x46: {  	[sflag:s23] =	ssyncadd.s32 $0xFFFFC000;
	(pc) =	sbr.rel @!p0 .LBB2_3-.Ltmp0, $4  }
0x47: {  	[tilespmem:s4], [sflag:$0x5] =	stream.linear.gather [hbm4b:s13+s4], $0x100, $0x38;
	[tilespmem:$0x1BE00] =	vst v63  }
0x48: {  	_ =	swait.ge [sflag:s15], $0x100  }
0x49: {  	[sflag:s15] =	ssyncset.done $0x0  }
0x4a: {  	s28 =	simm.s32 $0x1;
	s26 =	sadd.s32 $0x40, s13;
	[sflag:s15] =	ssyncadd.s32 $0xFFFFFF00  }
.LBB2_2:
0x4b: {  	[tilespmem:s17], [sflag:$0x1] =	stream.indirect.gather [hbm4b:s1+s16], $0x80, s4, s16, $0xb8;
	[tilespmem:$0x1BE00] =	vst v63  }
0x4c: {  	s28 =	sadd.s32 $0x1, s28;
	_ =	swait.ge [sflag:s18], $0x4000  }
0x4d: {  	p0 =	sne.s32 s5, s28;
	[sflag:s18] =	ssyncset.done $0x0  }
0x4e: {  	[sflag:s18] =	ssyncadd.s32 $0xFFFFC000  }
0x4f: {  	[spmem:s3] =	stream.indirect.scatter.add.f32 [tilespmem:s17], [sflag:$0x3], $0x80, s16, s16, $0xb8;
	[tilespmem:$0x1BE00] =	vst v63  }
0x50: {  	_ =	swait.ge [sflag:s24], $0x4000  }
0x51: {  	[sflag:s24] =	ssyncset.done $0x0  }
0x52: {  	s29 =	sadd.s32 $0xFFFFFFE0, s26;
	[sflag:s24] =	ssyncadd.s32 $0xFFFFC000  }
0x53: {  	[tilespmem:s19], [sflag:$0x5] =	stream.linear.gather [hbm4b:s29+s4], $0x100, $0x38;
	[tilespmem:$0x1BE00] =	vst v63  }
0x54: {  	_ =	swait.ge [sflag:s15], $0x100  }
0x55: {  	[sflag:s15] =	ssyncset.done $0x0  }
0x56: {  	[sflag:s15] =	ssyncadd.s32 $0xFFFFFF00  }
0x57: {  	[tilespmem:s20], [sflag:$0x2] =	stream.indirect.gather [hbm4b:s1+s16], $0x80, s19, s16, $0xb8;
	[tilespmem:$0x1BE00] =	vst v63  }
0x58: {  	_ =	swait.ge [sflag:s21], $0x4000  }
0x59: {  	[sflag:s21] =	ssyncset.done $0x0  }
0x5a: {  	[sflag:s21] =	ssyncadd.s32 $0xFFFFC000  }
0x5b: {  	[spmem:s3] =	stream.indirect.scatter.add.f32 [tilespmem:s20], [sflag:$0x4], $0x80, s22, s16, $0xb8;
	[tilespmem:$0x1BE00] =	vst v63  }
0x5c: {  	_ =	swait.ge [sflag:s23], $0x4000  }
0x5d: {  	[sflag:s23] =	ssyncset.done $0x0  }
.Ltmp1:
0x5e: {  	[sflag:s23] =	ssyncadd.s32 $0xFFFFC000;
	(pc) =	sbr.rel @p0 .LBB2_2-.Ltmp1, $4  }
0x5f: {  	[tilespmem:s4], [sflag:$0x5] =	stream.linear.gather [hbm4b:s26+s4], $0x100, $0x38;
	[tilespmem:$0x1BE00] =	vst v63  }
0x60: {  	_ =	swait.ge [sflag:s15], $0x100  }
0x61: {  	[sflag:s15] =	ssyncset.done $0x0  }
0x62: {  	s26 =	sadd.s32 $0x40, s26;
	[sflag:s15] =	ssyncadd.s32 $0xFFFFFF00  }
.LBB2_3:
0x63: {  	[tilespmem:s17], [sflag:$0x1] =	stream.indirect.gather [hbm4b:s1+s16], $0x80, s4, s16, $0xb8;
	[tilespmem:$0x1BE00] =	vst v63  }
0x64: {  	_ =	swait.ge [sflag:s18], $0x4000  }
0x65: {  	[sflag:s18] =	ssyncset.done $0x0  }
0x66: {  	[sflag:s18] =	ssyncadd.s32 $0xFFFFC000  }
0x67: {  	[spmem:s3] =	stream.indirect.scatter.add.f32 [tilespmem:s17], [sflag:$0x3], $0x80, s16, s16, $0xb8;
	[tilespmem:$0x1BE00] =	vst v63  }
0x68: {  	_ =	swait.ge [sflag:s24], $0x4000  }
0x69: {  	[sflag:s24] =	ssyncset.done $0x0  }
0x6a: {  	s29 =	sadd.s32 $0xFFFFFFE0, s26;
	[sflag:s24] =	ssyncadd.s32 $0xFFFFC000  }
0x6b: {  	[tilespmem:s19], [sflag:$0x5] =	stream.linear.gather [hbm4b:s29+s4], $0x100, $0x38;
	[tilespmem:$0x1BE00] =	vst v63  }
0x6c: {  	_ =	swait.ge [sflag:s15], $0x100  }
0x6d: {  	[sflag:s15] =	ssyncset.done $0x0  }
0x6e: {  	[sflag:s15] =	ssyncadd.s32 $0xFFFFFF00  }
0x6f: {  	[tilespmem:s20], [sflag:$0x2] =	stream.indirect.gather [hbm4b:s1+s16], $0x80, s19, s16, $0xb8;
	[tilespmem:$0x1BE00] =	vst v63  }
0x70: {  	_ =	swait.ge [sflag:s21], $0x4000  }
0x71: {  	[sflag:s21] =	ssyncset.done $0x0  }
0x72: {  	[sflag:s21] =	ssyncadd.s32 $0xFFFFC000  }
0x73: {  	[spmem:s3] =	stream.indirect.scatter.add.f32 [tilespmem:s20], [sflag:$0x4], $0x80, s22, s16, $0xb8;
	[tilespmem:$0x1BE00] =	vst v63  }
0x74: {  	_ =	swait.ge [sflag:s23], $0x4000  }
0x75: {  	p0 =	sge.u32 s28, s5;
	[sflag:s23] =	ssyncset.done $0x0  }
0x76: {  	s28 =	simm.s32 @!p0 $0x0;
	[sflag:s23] =	ssyncadd.s32 $0xFFFFC000  }
0x77: {  	[tilespmem:s28], [sflag:$0x5] =	stream.linear.gather @!p0 [hbm4b:s26+s28], $0x100, $0x38;
	[tilespmem:$0x1BE00] =	vst v63  }
0x78: {  	s26 =	simm.s32 @!p0 $0x5  }
0x79: {  	_ =	swait.ge @!p0 [sflag:s26], $0x100  }
0x7a: {  	[sflag:s26] =	ssyncset.done @!p0 $0x0  }
0x7b: {  	s29 =	simm.s32 @!p0 $0x200;
	[sflag:s26] =	ssyncadd.s32 @!p0 $0xFFFFFF00;
	s26 =	simm.s32 @!p0 $0x80  }
0x7c: {  	[tilespmem:s29], [sflag:$0x1] =	stream.indirect.gather @!p0 [hbm4b:s1+s26], $0x80, s28, s26, $0xb8;
	[tilespmem:$0x1BE00] =	vst v63  }
0x7d: {  	_ =	swait.ge [sflag:s24], $0x4000  }
0x7e: {  	s25 =	sadd.s32 $0x1, s25;
	[sflag:s24] =	ssyncset.done $0x0  }
0x7f: {  	p0 =	sne.s32 s25, s10;
	[sflag:s24] =	ssyncadd.s32 $0xFFFFC000  }
.Ltmp2:
0x80: {  	[bflag:$0x0] =	sbarrier.arrive $0xFFFF;
	(pc) =	sbr.rel @p0 .LBB2_1-.Ltmp2, $4  }
0x81: {  	[hbm:s9], [sflag:s7] =	dma.local [spmem:s14], $0x2780  }
0x82: {  	_ =	swait.ge [sflag:s15], $0x2780  }
0x83: {  	[sflag:s15] =	ssyncset.done $0x0  }
0x84: {  	[sflag:s15] =	ssyncadd.s32 $0xFFFFD880  }
0x85: {  	_ =	sfence.sel $0x180000  }
0x86: {  	[bflag:$0x0] =	sbarrier.arrive $0xFFFF  }
0x87: {  	p0 =	sne.s32 s0, $0x0;
	_ =	strace $0x9000004D  }
0x88: {  	s0 =	sadd.s32 @!p0 $0x100000, s2;
	[bflag:$0x2] =	sbarrier.arrive $0xFFFF  }
0x89: {  	[sflag:s0] =	ssyncadd.tile.s32 @!p0 $0x1;
	_ =	shalt  }
.Lfunc_end2:
_tile_overlayer_lowered:
.L_overlay_start_2:
0x8a: {  	(tag) =	ssettag $0x2  }
0x8b: {  	s0 =	rddreg [dreg:$0x0];
	s2 =	stileid.u32  }
0x8c: {  	s1 =	rddreg [dreg:$0x1];
	p0 =	sne.s32 s2, $0x0  }
0x8d: {  	s3 =	rddreg [dreg:$0x2];
	[bflag:$0x3] =	sbarrier.arrive $0xFFFF;
	s2 =	simm.s32 @!p0 $0x1C05  }
0x8e: {  	[timem:s3], [sflag:s2] =	dma.local @!p0 [hbm:s0], s1  }
0x8f: {  	s0 =	simm.s32 @!p0 $0x5  }
0x90: {  	_ =	swait.ge @!p0 [sflag:s0], s1  }
0x91: {  	s1 =	ssub.s32 @!p0 $0x0, s1;
	[sflag:s0] =	ssyncset.done @!p0 $0x0  }
0x92: {  	[sflag:s0] =	ssyncadd.s32 @!p0 s1  }
0x93: {  	[bflag:$0x3] =	sbarrier.arrive $0xFFFF  }
0x94: {  	_ =	shalt  }

// kernel: kernel.8.cloned.1.call-start
scs
__scs_entry_jumppad:
0x0: {  	(pc) =	sbr.rel $0x88, $3  }
0x1: {  	(tag) =	ssettag $0x0;
	lr =	simm.s32 $0x1  }
0x2: {  	[smem:$0x3F9B] =	sst lr;
	_ =	strace $0xD0000000  }
0x3: {  	_ = 	snop  }
0x4: {  	_ = 	snop  }
0x5: {  	_ = 	snop  }
0x6: {  	_ = 	snop  }
0x7: {  	_ = 	snop  }
__scs_overlays_trampoline_lowered:
0x8: {  	[smem:$0x3FAA] =	sst s0  }
0x9: {  	[smem:$0x3FAB] =	sst s1  }
0xa: {  	[smem:$0x3FAC] =	sst s2  }
0xb: {  	[smem:$0x3FAD] =	sst s3  }
0xc: {  	[smem:$0x3FAE] =	sst s4  }
0xd: {  	[smem:$0x3FAF] =	sst s5  }
0xe: {  	[smem:$0x3FB0] =	sst s6  }
0xf: {  	[smem:$0x3FB1] =	sst s7  }
0x10: {  	[smem:$0x3FB2] =	sst s8  }
0x11: {  	[smem:$0x3FB3] =	sst s9;
	s0 =	simm.s32 @!p0 $0x0  }
0x12: {  	s1 =	sld [smem:$0x3F99];
	s0 =	simm.s32 @p0 $0x1  }
0x13: {  	[smem:$0x3FB4] =	sst s0;
	s0 =	simm.s32 @!p1 $0x0  }
0x14: {  	s2 =	sld [smem:$0x3F98];
	s0 =	simm.s32 @p1 $0x1  }
0x15: {  	[smem:$0x3FB5] =	sst s0;
	s0 =	simm.s32 @!p2 $0x0  }
0x16: {  	s3 =	sld [smem:$0x3FDB];
	s0 =	simm.s32 @p2 $0x1  }
0x17: {  	s4 =	simm.s32 $0x1BF5;
	[smem:$0x3FB7] =	sst s0  }
0x18: {  	s0 =	sld [smem:$0x3F9A];
	_ =	swait.ge [sflag:s4], $0x0  }
0x19: {  	s7 =	sld [smem:$0x3F9B]  }
0x1a: {  	s8 =	sadd.s32 $0xFFFFE003, lr  }
0x1b: {  	s9 =	sadd.s32 $0xFFFFFEF7, lr;
	s5 =	simm.s32 $0xFFFFFFFF;
	p2 =	slt.u32 s8, $0xFFFFF086  }
0x1c: {  	p1 =	slt.u32 s9, $0xF7A;
	s5 =	simm.s32 @!p2 $0x0  }
0x1d: {  	s5 =	simm.s32 @p1 $0x1;
	p0 =	seq.s32 s7, s2  }
0x1e: {  	s7 =	smul.u32 @!p0 $0xF7A, s2;
	p2 =	seq.s32 @!p0 s5, $0x0  }
0x1f: {  	s9 =	smul.u32 $0xF7A, s1;
	s8 =	simm.s32 @!p0 $0x1BF5;
	p2 =	por !p2, p0  }
0x20: {  	[sflag:s8] =	ssyncset.s32 @!p0 $0xFFFFF086;
	s6 =	sadd.s32 @!p0 s3, s7;
	s7 =	simm.s32 @!p0 $0x108  }
0x21: {  	s3 =	sadd.s32 s3, s9;
	s6 =	sadd.s32 @!p0 $0x88, s6;
	s7 =	simm.s32 @p2 $0x1082  }
0x22: {  	[simem:s7], [sflag:s8] =	dma.local @!p0 [hbm:s6], $0xF7A  }
0x23: {  	s9 =	sor.u32 $0xD0000000, s2;
	s6 =	simm.s32 $0x108;
	_ =	swait.ge @!p0 [sflag:s8], $0x0  }
0x24: {  	s3 =	sadd.s32 $0x88, s3;
	s6 =	simm.s32 @!p1 $0x1082;
	[sflag:s4] =	ssyncset.s32 $0xFFFFF086  }
0x25: {  	[simem:s6], [sflag:s4] =	dma.local [hbm:s3], $0xF7A  }
0x26: {  	[smem:$0x3F9B] =	sst s1;
	(tag) =	ssettag s2;
	_ =	strace s9  }
0x27: {  	s1 =	sld [smem:$0x3FAB]  }
0x28: {  	s2 =	sld [smem:$0x3FAC]  }
0x29: {  	s4 =	sld [smem:$0x3FAE]  }
0x2a: {  	p0 =	seq.s32 s5, $0x0;
	s5 =	sld [smem:$0x3FAF]  }
0x2b: {  	s6 =	sld [smem:$0x3FB0]  }
0x2c: {  	s7 =	sld [smem:$0x3FB1]  }
0x2d: {  	s3 =	simm.s32 $0x108;
	s8 =	sld [smem:$0x3FB2]  }
0x2e: {  	s3 =	simm.s32 @!p0 $0x1082;
	s9 =	sld [smem:$0x3FB3]  }
0x2f: {  	lr =	sadd.s32 s0, s3;
	s0 =	sld [smem:$0x3FAA]  }
0x30: {  	s3 =	sld [smem:$0x3FAD]  }
0x31: {  	[smem:$0x3FB6] =	sst s10  }
0x32: {  	s10 =	sld [smem:$0x3FB4];
	_ =	sdelay $0x3  }
0x33: {  	p0 =	seq.s32 s10, $0x1;
	s10 =	sld [smem:$0x3FB6];
	_ =	sdelay $0x3  }
0x34: {  	[smem:$0x3FB6] =	sst s10  }
0x35: {  	s10 =	sld [smem:$0x3FB5];
	_ =	sdelay $0x3  }
0x36: {  	p1 =	seq.s32 s10, $0x1;
	s10 =	sld [smem:$0x3FB6];
	_ =	sdelay $0x3  }
0x37: {  	[smem:$0x3FB6] =	sst s10  }
0x38: {  	s10 =	sld [smem:$0x3FB7]  }
0x39: {  	_ = 	snop;
	(pc) =	sbr.ind lr, $3  }
0x3a: {  	_ = 	snop  }
0x3b: {  	_ = 	snop  }
0x3c: {  	p2 =	seq.s32 s10, $0x1;
	s10 =	sld [smem:$0x3FB6]  }
0x3d: {  	_ =	shalt  }
0x3e: {  	_ =	shalt  }
0x3f: {  	_ =	shalt  }
0x40: {  	_ =	shalt  }
0x41: {  	_ =	shalt  }
0x42: {  	_ =	shalt  }
0x43: {  	_ =	shalt  }
0x44: {  	_ =	shalt  }
0x45: {  	_ =	shalt  }
0x46: {  	_ =	shalt  }
0x47: {  	_ =	shalt  }
0x48: {  	_ =	shalt  }
0x49: {  	_ =	shalt  }
0x4a: {  	_ =	shalt  }
0x4b: {  	_ =	shalt  }
0x4c: {  	_ =	shalt  }
0x4d: {  	_ =	shalt  }
0x4e: {  	_ =	shalt  }
0x4f: {  	_ =	shalt  }
0x50: {  	_ =	shalt  }
0x51: {  	_ =	shalt  }
0x52: {  	_ =	shalt  }
0x53: {  	_ =	shalt  }
0x54: {  	_ =	shalt  }
0x55: {  	_ =	shalt  }
0x56: {  	_ =	shalt  }
0x57: {  	_ =	shalt  }
0x58: {  	_ =	shalt  }
0x59: {  	_ =	shalt  }
0x5a: {  	_ =	shalt  }
0x5b: {  	_ =	shalt  }
0x5c: {  	_ =	shalt  }
0x5d: {  	_ =	shalt  }
0x5e: {  	_ =	shalt  }
0x5f: {  	_ =	shalt  }
0x60: {  	_ =	shalt  }
0x61: {  	_ =	shalt  }
0x62: {  	_ =	shalt  }
0x63: {  	_ =	shalt  }
0x64: {  	_ =	shalt  }
0x65: {  	_ =	shalt  }
0x66: {  	_ =	shalt  }
0x67: {  	_ =	shalt  }
0x68: {  	_ =	shalt  }
0x69: {  	_ =	shalt  }
0x6a: {  	_ =	shalt  }
0x6b: {  	_ =	shalt  }
0x6c: {  	_ =	shalt  }
0x6d: {  	_ =	shalt  }
0x6e: {  	_ =	shalt  }
0x6f: {  	_ =	shalt  }
0x70: {  	_ =	shalt  }
0x71: {  	_ =	shalt  }
0x72: {  	_ =	shalt  }
0x73: {  	_ =	shalt  }
0x74: {  	_ =	shalt  }
0x75: {  	_ =	shalt  }
0x76: {  	_ =	shalt  }
0x77: {  	_ =	shalt  }
0x78: {  	_ =	shalt  }
0x79: {  	_ =	shalt  }
0x7a: {  	_ =	shalt  }
0x7b: {  	_ =	shalt  }
0x7c: {  	_ =	shalt  }
0x7d: {  	_ =	shalt  }
0x7e: {  	_ =	shalt  }
0x7f: {  	_ =	shalt  }
0x80: {  	_ =	shalt  }
0x81: {  	_ =	shalt  }
0x82: {  	_ =	shalt  }
0x83: {  	_ =	shalt  }
0x84: {  	_ =	shalt  }
0x85: {  	_ =	shalt  }
0x86: {  	_ =	shalt  }
0x87: {  	_ =	shalt  }
.Lfunc_end0:
.L_simem_size_0:
called_computation_lowered:
.L_overlay_start_0:
0x88: {  	s2 =	sld [smem:$0x3FD9]  }
0x89: {  	s3 =	sld [smem:$0x3FFE];
	_ =	sdelay $0x1  }
0x8a: {  	s1 =	srdreg.scid  }
0x8b: {  	s0 =	sand.u32 $0x1, s1  }
0x8c: {  	s17 =	sshll.u32 s0, $0xA;
	s2 =	sadd.s32 s3, s2  }
0x8d: {  	s2 =	sadd.s32 s2, s17  }
0x8e: {  	[smem:$0x3FC2] =	sst s2  }
0x8f: {  	_ = 	snop  }
0x90: {  	s2 =	sld [smem:$0x3FD0];
	(tm) =	ssettm $0x1  }
0x91: {  	s18 =	sld [smem:$0x3FFB];
	_ =	sdelay $0x3  }
0x92: {  	_ =	strace s18  }
0x93: {  	s3 =	sld [smem:$0x3FFC];
	_ =	sdelay $0x3  }
0x94: {  	_ =	strace s3  }
0x95: {  	s3 =	sld [smem:$0x3FFD];
	_ =	sdelay $0x3  }
0x96: {  	_ =	strace s3  }
0x97: {  	_ =	strace $0x8FFFFFFF  }
0x98: {  	s19 =	sld [smem:$0x3FDB];
	_ =	sdelay $0x1  }
0x99: {  	s4 =	simm.s32 $_scs_section_size  }
0x9a: {  	s5 =	simm.s32 $_size__tile_overlayer_lowered;
	s6 =	simm.s32 $_tile_overlayer_lowered  }
0x9b: {  	s22 =	simm.s32 $0x1BFF;
	s21 =	sshll.u32 s6, $0x1;
	s3 =	sadd.s32 s4, s19  }
0x9c: {  	s7 =	simm.s32 $0x0;
	s20 =	sshll.u32 s5, $0x1;
	s5 =	sadd.s32 s21, s3  }
0x9d: {  	[timem:s7], [sflag:s22] =	dma.local [hbm:s5], s20  }
0x9e: {  	_ =	swait.ge [sflag:s22], s20  }
0x9f: {  	s4 =	ssub.s32 $0x0, s20;
	[sflag:s22] =	ssyncset.done $0x0  }
0xa0: {  	[sflag:s22] =	ssyncadd.s32 s4;
	_ =	sdelay $0x1  }
0xa1: {  	s23 =	simm.s32 $0x1B8B  }
0xa2: {  	_ =	swait.ge [sflag:s23], $0x1  }
0xa3: {  	[sflag:s23] =	ssyncset.done $0x0  }
0xa4: {  	s25 =	simm.s32 $0x1B8E;
	s24 =	sld [smem:$0x3FFE];
	[sflag:s23] =	ssyncadd.s32 $0xFFFFFFFF  }
0xa5: {  	s26 =	simm.s32 $execute0_lowered;
	[smem:$0x3FD2] =	sst s25  }
0xa6: {  	s5 =	sshll.u32 s26, $0x1;
	_ =	strace $0x80000046;
	[dreg:$0x1] =	wrdreg $0xFFFFFFFF  }
0xa7: {  	s28 =	simm.s32 $_size_execute0_lowered;
	s3 =	sadd.s32 s3, s5;
	[dreg:$0x0] =	wrdreg $0x0  }
0xa8: {  	s5 =	sshll.u32 s28, $0x1;
	[dreg:$0x2] =	wrdreg s3  }
0xa9: {  	[dreg:$0x3] =	wrdreg s5  }
0xaa: {  	[dreg:$0x4] =	wrdreg $0xC0  }
0xab: {  	_ =	task [dreg:s7], $0x5FFFF  }
0xac: {  	[dreg:$0x1] =	wrdreg $0xFFFFFFFF  }
0xad: {  	[dreg:$0x0] =	wrdreg $0x60  }
0xae: {  	[dreg:$0x2] =	wrdreg s2  }
0xaf: {  	[dreg:$0x3] =	wrdreg s24  }
0xb0: {  	[dreg:$0x4] =	wrdreg $0x40800  }
0xb1: {  	[dreg:$0x5] =	wrdreg $0x9  }
0xb2: {  	_ =	task.clear_ibuf [dreg:s7], $0x6FFFF;
	_ =	strace $0x90000046  }
0xb3: {  	s29 =	simm.s32 $0x9;
	_ =	strace $0x80000048  }
0xb4: {  	_ =	swait.ge [sflag:s29], $0x1  }
0xb5: {  	[sflag:s29] =	ssyncadd.s32 $0xFFFFFFFF  }
0xb6: {  	_ =	strace $0x90000048  }
0xb7: {  	_ =	sfence  }
0xb8: {  	s30 =	sld [smem:$0x0];
	_ =	sdelay $0x2  }
0xb9: {  	s31 =	sshll.u32 s1, $0xD;
	s1 =	sshrl.u32 s1, $0x2  }
0xba: {  	s3 =	sand.u32 $0x4000, s31;
	s1 =	sadd.s32 s1, s30  }
0xbb: {  	s0 =	sor.u32 s3, s0;
	s1 =	sshll.u32 s1, $0x11  }
0xbc: {  	s0 =	sor.u32 s1, s0  }
0xbd: {  	s0 =	sadd.s32 $0x8F2B, s0  }
0xbe: {  	[sflag:s0] =	ssyncadd.remote.s32 $0x1  }
0xbf: {  	_ =	sfence.sel $0xFFFF  }
0xc0: {  	[dreg:$0x0] =	wrdreg $0xFFFFFFFF;
	(pc) =	sbr.abs _section_cstart, $3  }
0xc1: {  	[dreg:$0x1] =	wrdreg $0xFFFFFFFF  }
0xc2: {  	_ =	task.clear_ibuf [dreg:s7], $0x2FFFF;
	_ =	strace $0x9FFFFFFF  }
0xc3: {  	(tm) =	ssettm $0x7FFFFFFF  }
tec
execute0_lowered:
.L_overlay_start_1:
0x0: {  	(tag) =	ssettag $0x1  }
0x1: {  	s8 =	rddreg [dreg:$0x0]  }
0x2: {  	s5 =	rddreg [dreg:$0x1]  }
0x3: {  	s2 =	rddreg [dreg:$0x2]  }
0x4: {  	s0 =	rddreg [dreg:$0x3];
	s1 =	stileid.u32  }
0x5: {  	s4 =	srdreg.scid;
	s6 =	smul.u32 $0x13C00, s1  }
0x6: {  	s3 =	simm.s32 $0x0;
	s7 =	sand.u32 $0x1, s4;
	s10 =	smul.u32 $0x4F000, s1  }
0x7: {  	[smem:$0x7FF] =	sst s3;
	s29 =	sshll.u32 s1, $0x6;
	s30 =	smul.u32 $0x4F0, s1  }
0x8: {  	s4 =	smul.u32 $0x13C000, s7;
	_ =	strace $0x80000047;
	s11 =	ssub.s32 $0x2, s7  }
0x9: {  	s13 =	smul.u32 $0x4F00, s7;
	s9 =	sshrl.u32 s6, $0x3;
	s24 =	sshrl.u32 s11, $0x1  }
0xa: {  	s25 =	sshrl.u32 s10, $0x2;
	s9 =	sadd.s32 s9, s5;
	s6 =	sadd.s32 s6, s4  }
0xb: {  	s4 =	sadd.s32 $0x2800, s5;
	s26 =	ssub.s32 s11, s24;
	s28 =	sadd.s32 s25, s2  }
0xc: {  	s31 =	sadd.s32 s13, s8;
	s11 =	simm.s32 $0x1;
	s13 =	simm.s32 $0x0  }
0xd: {  	s6 =	sshrl.u32 s6, $0x3;
	s8 =	smax.u32 s26, $0x1;
	s10 =	sshrl.u32 s28, $0x3  }
0xe: {  	s12 =	sadd.s32 s6, s5;
	s5 =	sadd.s32 $0x3000, s9;
	s6 =	sor.u32 $0x1C01, s29  }
0xf: {  	s9 =	sadd.s32 s30, s31;
	s7 =	sadd.s32 $0x2A800, s12;
	s12 =	simm.s32 $0x80  }
.LBB2_1:
0x10: {  	[spmem:s10], [sflag:s6] =	dma.local [hbm:s5], $0x2780  }
0x11: {  	_ =	swait.ge [sflag:s11], $0x2780  }
0x12: {  	[sflag:s11] =	ssyncset.done $0x0  }
0x13: {  	[sflag:s11] =	ssyncadd.s32 $0xFFFFD880  }
0x14: {  	[tilespmem:s12], [sflag:$0x1] =	stream.linear.gather [hbm4b:s4+s3], $0x4000, $0x38;
	[tilespmem:$0x17C80] =	vst v63  }
0x15: {  	_ =	swait.ge [sflag:s11], $0x4000  }
0x16: {  	[sflag:s11] =	ssyncset.done $0x0  }
0x17: {  	[sflag:s11] =	ssyncadd.s32 $0xFFFFC000  }
0x18: {  	s14 =	sadd.s32 $0x0, s9;
	[bflag:$0x0] =	sbarrier.arrive $0xFFFF  }
0x19: {  	[tilespmem:s3], [sflag:$0x1] =	stream.linear.gather [hbm4b:s14+s3], $0x80, $0x38;
	[tilespmem:$0x17C80] =	vst v63  }
0x1a: {  	_ =	swait.ge [sflag:s11], $0x80  }
0x1b: {  	[sflag:s11] =	ssyncset.done $0x0  }
0x1c: {  	[sflag:s11] =	ssyncadd.s32 $0xFFFFFF80  }
0x1d: {  	[spmem:s2] =	stream.indirect.scatter.add.f32 [tilespmem:s12], [sflag:$0x1], $0x80, s3, s12, $0xb8;
	[tilespmem:$0x17C80] =	vst v63  }
0x1e: {  	_ =	swait.ge [sflag:s11], $0x4000  }
0x1f: {  	s15 =	simm.s32 $0x20;
	s14 =	simm.s32 $0x10;
	[sflag:s11] =	ssyncset.done $0x0  }
.LBB2_2:
0x20: {  	s16 =	sadd.s32 s14, s9  }
0x21: {  	[sflag:s11] =	ssyncadd.s32 $0xFFFFC000;
	s14 =	smov.u32 s15;
	s17 =	sadd.s32 $0x10, s15  }
0x22: {  	[tilespmem:s3], [sflag:$0x1] =	stream.linear.gather [hbm4b:s16+s3], $0x80, $0x38;
	[tilespmem:$0x17C80] =	vst v63  }
0x23: {  	p0 =	sne.s32 s15, $0x4E0;
	_ =	swait.ge [sflag:s11], $0x80  }
.Ltmp0:
0x24: {  	[sflag:s11] =	ssyncset.done $0x0;
	(pc) =	sbr.rel @p0 .LBB2_2-.Ltmp0, $4  }
0x25: {  	[sflag:s11] =	ssyncadd.s32 $0xFFFFFF80  }
0x26: {  	[spmem:s2] =	stream.indirect.scatter.add.f32 [tilespmem:s12], [sflag:$0x1], $0x80, s3, s12, $0xb8;
	[tilespmem:$0x17C80] =	vst v63  }
0x27: {  	_ =	swait.ge [sflag:s11], $0x4000  }
0x28: {  	s15 =	smov.u32 s17;
	[sflag:s11] =	ssyncset.done $0x0  }
0x29: {  	s14 =	sadd.s32 s14, s9;
	[sflag:s11] =	ssyncadd.s32 $0xFFFFC000  }
0x2a: {  	[tilespmem:s3], [sflag:$0x1] =	stream.linear.gather [hbm4b:s14+s3], $0x80, $0x38;
	[tilespmem:$0x17C80] =	vst v63  }
0x2b: {  	_ =	swait.ge [sflag:s11], $0x80  }
0x2c: {  	[sflag:s11] =	ssyncset.done $0x0  }
0x2d: {  	[sflag:s11] =	ssyncadd.s32 $0xFFFFFF80  }
0x2e: {  	[spmem:s2] =	stream.indirect.scatter.add.f32 [tilespmem:s12], [sflag:$0x1], $0x80, s3, s12, $0xb8;
	[tilespmem:$0x17C80] =	vst v63  }
0x2f: {  	_ =	swait.ge [sflag:s11], $0x4000  }
0x30: {  	s13 =	sadd.s32 $0x1, s13;
	[sflag:s11] =	ssyncset.done $0x0  }
0x31: {  	p0 =	sne.s32 s13, s8;
	[sflag:s11] =	ssyncadd.s32 $0xFFFFC000  }
.Ltmp1:
0x32: {  	[bflag:$0x0] =	sbarrier.arrive $0xFFFF;
	(pc) =	sbr.rel @p0 .LBB2_1-.Ltmp1, $4  }
0x33: {  	[hbm:s7], [sflag:s6] =	dma.local [spmem:s10], $0x2780  }
0x34: {  	_ =	swait.ge [sflag:s11], $0x2780  }
0x35: {  	[sflag:s11] =	ssyncset.done $0x0  }
0x36: {  	[sflag:s11] =	ssyncadd.s32 $0xFFFFD880  }
0x37: {  	_ =	sfence.sel $0x180000  }
0x38: {  	[bflag:$0x0] =	sbarrier.arrive $0xFFFF  }
0x39: {  	p0 =	sne.s32 s1, $0x0;
	_ =	strace $0x90000047  }
0x3a: {  	s0 =	sadd.s32 @!p0 $0x100000, s0;
	[bflag:$0x2] =	sbarrier.arrive $0xFFFF  }
0x3b: {  	[sflag:s0] =	ssyncadd.tile.s32 @!p0 $0x1;
	_ =	shalt  }
.Lfunc_end2:
_tile_overlayer_lowered:
.L_overlay_start_2:
0x3c: {  	(tag) =	ssettag $0x2  }
0x3d: {  	s0 =	rddreg [dreg:$0x0];
	s2 =	stileid.u32  }
0x3e: {  	s1 =	rddreg [dreg:$0x1];
	p0 =	sne.s32 s2, $0x0  }
0x3f: {  	s3 =	rddreg [dreg:$0x2];
	[bflag:$0x3] =	sbarrier.arrive $0xFFFF;
	s2 =	simm.s32 @!p0 $0x1C01  }
0x40: {  	[timem:s3], [sflag:s2] =	dma.local @!p0 [hbm:s0], s1  }
0x41: {  	s0 =	simm.s32 @!p0 $0x1  }
0x42: {  	_ =	swait.ge @!p0 [sflag:s0], s1  }
0x43: {  	s1 =	ssub.s32 @!p0 $0x0, s1;
	[sflag:s0] =	ssyncset.done @!p0 $0x0  }
0x44: {  	[sflag:s0] =	ssyncadd.s32 @!p0 s1  }
0x45: {  	[bflag:$0x3] =	sbarrier.arrive $0xFFFF  }
0x46: {  	_ =	shalt  }

</sc_bundles>
